<compile_context>
chip_gen: v7x
topology: tpu7x:2x2x1
jax: 0.10.2.dev20260603
libtpu: 0.0.44.dev20260713+nightly
codegen_flags: <defaults>
</compile_context>

<pallas_src>
import functools

import jax
import jax.numpy as jnp
from jax import lax
from jax.experimental import pallas as pl
from jax.experimental.pallas import tpu as pltpu
from jax.experimental.pallas import tpu_sc as plsc

B = 2
NQ = 2048
N = 2048
LAT = 256
DIM = 256
NN = 16
HID = 128
NB = 5
OUT = 3

VX = 384
QA = 256
QC = 128
FREQS = (1.0, 8.75, 16.5, 24.25, 32.0)

F32 = jnp.float32


def _topk_body(xq_ref, xt_ref, o_ref):
    b = pl.program_id(0)
    xq = xq_ref[0]
    xt = xt_ref[0]
    qx = xq[:, 0:1]
    qy = xq[:, 1:2]
    px = xt[0:1, :]
    py = xt[1:2, :]
    d = (qx - px) ** 2 + (qy - py) ** 2
    it = lax.broadcasted_iota(jnp.int32, (QA, N), 1).astype(F32)
    cols = []
    for _ in range(NN):
        v = jnp.min(d, axis=1, keepdims=True)
        cand = jnp.where(d == v, it, F32(N))
        i = jnp.min(cand, axis=1, keepdims=True)
        d = jnp.where(it == i, F32(3e38), d)
        cols.append(i)
    idx = jnp.concatenate(cols, axis=1).astype(jnp.int32) + b * N
    o_ref[0] = idx


def _topk(xyz_q, xyz_t):
    return pl.pallas_call(
        _topk_body,
        grid=(B, NQ // QA),
        in_specs=[
            pl.BlockSpec((1, QA, 2), lambda b, q: (b, q, 0)),
            pl.BlockSpec((1, 2, N), lambda b, q: (b, 0, 0)),
        ],
        out_specs=pl.BlockSpec((1, QA, NN), lambda b, q: (b, q, 0)),
        out_shape=jax.ShapeDtypeStruct((B, NQ, NN), jnp.int32),
    )(xyz_q, xyz_t)


def _proj_body(pts_ref, xyz_ref, lat_ref, wq_ref, wk_ref, wv_ref, wkg_ref,
               wvg_ref, gw1_ref, gb1_ref, gw2_ref, pew_ref, peb_ref,
               kg_ref, v_ref, wpe2_ref, arow_ref, lg_ref, vg_ref):
    dot = functools.partial(jnp.dot, preferred_element_type=F32)
    pts = pts_ref[0]
    gw1 = gw1_ref[...]
    wk1 = dot(wk_ref[...], gw1)
    kg_ref[0] = dot(pts, wk1)
    v_ref[0] = jnp.concatenate(
        [dot(pts, wv_ref[...]), xyz_ref[0],
         jnp.zeros((N, VX - DIM - 3), F32)], axis=1)
    pewg = dot(pew_ref[...], gw1)
    wpe2_ref[...] = jnp.concatenate([pewg, pew_ref[...]], axis=1)
    lat = lat_ref[...]
    qg = dot(lat, wq_ref[...])
    arow_ref[:, 0, :] = dot(qg, gw1) + dot(peb_ref[...], gw1) + gb1_ref[...]
    kgl = dot(lat, wkg_ref[...])
    hg = jnp.maximum(dot(qg - kgl, gw1) + gb1_ref[...], 0.0)
    lg_ref[:, 0, :] = dot(hg, gw2_ref[...])
    vg_ref[:, 0, :] = dot(lat, wvg_ref[...])


def _proj(points, xyz, lat_rep, Wq, Wk, Wv, Wkg, Wvg, gW1, gb1r, gW2, peW,
          pebr):
    full2 = lambda a: pl.BlockSpec(a.shape, lambda b: (0,) * a.ndim)
    return pl.pallas_call(
        _proj_body,
        grid=(B,),
        in_specs=[
            pl.BlockSpec((1, N, LAT), lambda b: (b, 0, 0)),
            pl.BlockSpec((1, N, 3), lambda b: (b, 0, 0)),
            full2(lat_rep), full2(Wq), full2(Wk), full2(Wv), full2(Wkg),
            full2(Wvg), full2(gW1), full2(gb1r), full2(gW2), full2(peW),
            full2(pebr),
        ],
        out_specs=[
            pl.BlockSpec((1, N, DIM), lambda b: (b, 0, 0)),
            pl.BlockSpec((1, N, VX), lambda b: (b, 0, 0)),
            pl.BlockSpec((33, 2 * DIM), lambda b: (0, 0)),
            pl.BlockSpec((B, 1, DIM), lambda b: (0, 0, 0)),
            pl.BlockSpec((B, 1, DIM), lambda b: (0, 0, 0)),
            pl.BlockSpec((B, 1, DIM), lambda b: (0, 0, 0)),
        ],
        out_shape=[
            jax.ShapeDtypeStruct((B, N, DIM), F32),
            jax.ShapeDtypeStruct((B, N, VX), F32),
            jax.ShapeDtypeStruct((33, 2 * DIM), F32),
            jax.ShapeDtypeStruct((B, 1, DIM), F32),
            jax.ShapeDtypeStruct((B, 1, DIM), F32),
            jax.ShapeDtypeStruct((B, 1, DIM), F32),
        ],
    )(points, xyz, lat_rep, Wq, Wk, Wv, Wkg, Wvg, gW1, gb1r, gW2, peW, pebr)


def _sc_gather(idx_flat, kgf, vxf):
    tot = B * NQ * NN
    nc, ns = 2, 16
    nw = nc * ns
    per_w = tot // nw
    ch = 128
    n_ch = per_w // ch
    mesh = plsc.VectorSubcoreMesh(core_axis_name="c", subcore_axis_name="s")

    @functools.partial(
        pl.kernel,
        mesh=mesh,
        out_type=[
            jax.ShapeDtypeStruct((tot, DIM), F32),
            jax.ShapeDtypeStruct((tot, VX), F32),
        ],
        scratch_types=[
            pltpu.VMEM((ch,), jnp.int32),
            pltpu.VMEM((ch, DIM), F32),
            pltpu.VMEM((ch, VX), F32),
            pltpu.SemaphoreType.DMA,
        ],
    )
    def gk(idx_hbm, kg_hbm, vx_hbm, okg_hbm, ovx_hbm, idx_v, kg_v, vx_v, sem):
        wid = lax.axis_index("s") * nc + lax.axis_index("c")
        base = wid * per_w

        @pl.loop(0, n_ch)
        def _(c):
            off = base + c * ch
            pltpu.sync_copy(idx_hbm.at[pl.ds(off, ch)], idx_v)
            pltpu.async_copy(kg_hbm.at[idx_v], kg_v, sem).wait()
            pltpu.sync_copy(kg_v, okg_hbm.at[pl.ds(off, ch)])
            pltpu.async_copy(vx_hbm.at[idx_v], vx_v, sem).wait()
            pltpu.sync_copy(vx_v, ovx_hbm.at[pl.ds(off, ch)])

    return gk(idx_flat, kgf, vxf)


def _attn_body(kgg_ref, vxg_ref, xqr_ref, arow_ref, lg_ref, vg_ref,
               wpe2_ref, gw2_ref, peb_ref, iew_ref, ieb_ref, fccw_ref,
               fccb_ref, b0w_ref, b0b_ref, b1w_ref, b1b_ref, fow_ref,
               fob_ref, o_ref):
    dot = functools.partial(jnp.dot, preferred_element_type=F32)
    vxg = vxg_ref[...]
    xq = xqr_ref[...]
    pd = jnp.concatenate(
        [xq[:, 0:1] - vxg[:, DIM:DIM + 1], xq[:, 1:2] - vxg[:, DIM + 1:DIM + 2],
         vxg[:, DIM + 2:DIM + 3]],
        axis=1)
    pieces = [pd]
    for f in FREQS:
        sc = pd * F32(f)
        pieces.append(jnp.sin(sc))
        pieces.append(jnp.cos(sc))
    pe33 = jnp.concatenate(pieces, axis=1)
    pe2 = dot(pe33, wpe2_ref[...])
    hidden = jnp.maximum(arow_ref[0] + pe2[:, :DIM] - kgg_ref[...], 0.0)
    logits = dot(hidden, gw2_ref[...])
    veff = vxg[:, :DIM] + pe2[:, DIM:] + peb_ref[...]
    l3 = logits.reshape(QC, NN, DIM)
    v3 = veff.reshape(QC, NN, DIM)
    lg = lg_ref[0]
    m = jnp.maximum(jnp.max(l3, axis=1), lg)
    e3 = jnp.exp(l3 - m[:, None, :])
    eg = jnp.exp(lg - m)
    s = jnp.sum(e3 * v3, axis=1)
    zden = jnp.sum(e3, axis=1) + eg
    y = (s + eg * vg_ref[0]) / zden
    net = dot(y, iew_ref[...]) + ieb_ref[...]
    for i in range(NB):
        net = net + dot(y, fccw_ref[i]) + fccb_ref[i:i + 1]
        h = dot(jnp.maximum(net, 0.0), b0w_ref[i]) + b0b_ref[i:i + 1]
        dx = dot(jnp.maximum(h, 0.0), b1w_ref[i]) + b1b_ref[i:i + 1]
        net = net + dx
    o_ref[...] = dot(jnp.maximum(net, 0.0), fow_ref[...]) + fob_ref[...]


def _attn(kgg, vxg, xqr, arow, lgl, vgl, wpe2, gW2, pebr, ieW, iebr,
          fccW, fccb, b0W, b0b, b1W, b1b, foW, fobr):
    R = QC * NN
    G = B * NQ // QC
    per_b = NQ // QC
    full = lambda a: pl.BlockSpec(a.shape, lambda i: (0,) * a.ndim)
    glob = pl.BlockSpec((1, 1, DIM), lambda i: (i // per_b, 0, 0))
    return pl.pallas_call(
        _attn_body,
        grid=(G,),
        in_specs=[
            pl.BlockSpec((R, DIM), lambda i: (i, 0)),
            pl.BlockSpec((R, VX), lambda i: (i, 0)),
            pl.BlockSpec((R, 2), lambda i: (i, 0)),
            glob, glob, glob,
            full(wpe2), full(gW2), full(pebr), full(ieW), full(iebr),
            full(fccW), full(fccb), full(b0W), full(b0b), full(b1W),
            full(b1b), full(foW), full(fobr),
        ],
        out_specs=pl.BlockSpec((QC, OUT), lambda i: (i, 0)),
        out_shape=jax.ShapeDtypeStruct((B * NQ, OUT), F32),
    )(kgg, vxg, xqr, arow, lgl, vgl, wpe2, gW2, pebr, ieW, iebr,
      fccW, fccb, b0W, b0b, b1W, b1b, foW, fobr)


def kernel(xyz_q, lat_rep, xyz, points, Wq, Wk, Wv, Wkg, Wvg, gW1, gb1,
           gW2, gb2, peW, peb, ieW, ieb, fccW, fccb, b0W, b0b, b1W, b1b,
           foW, fob):
    del gb2
    gb1r = gb1.reshape(1, DIM)
    pebr = peb.reshape(1, DIM)
    iebr = ieb.reshape(1, HID)
    fobr = fob.reshape(1, OUT)

    xyz_t = jnp.transpose(xyz[:, :, :2], (0, 2, 1))
    idx = _topk(xyz_q, xyz_t)
    kg, vx, wpe2, arow, lgl, vgl = _proj(
        points, xyz, lat_rep, Wq, Wk, Wv, Wkg, Wvg, gW1, gb1r, gW2, peW,
        pebr)

    idx_flat = idx.reshape(B * NQ * NN)
    kgf = kg.reshape(B * N, DIM)
    vxf = vx.reshape(B * N, VX)
    kgg, vxg = _sc_gather(idx_flat, kgf, vxf)

    xqr = jnp.repeat(xyz_q.reshape(B * NQ, 2), NN, axis=0)
    out = _attn(kgg, vxg, xqr, arow, lgl, vgl, wpe2, gW2, pebr, ieW,
                iebr, fccW, fccb, b0W, b0b, b1W, b1b, foW, fobr)
    return out.reshape(B, NQ, OUT)

# --- scband reference (transcript-rebuilt; emitter-appended) ---
"""Pipeline reference for scband-ne-pu-renderer-28286654612092 (READ-ONLY COPY).

The authoritative reference and input builder live on the scoring server;
editing this copy changes nothing except your own understanding.
"""

import jax, jax.numpy as jnp
import numpy as np

B = 2; NQ = 2048; N = 2048; LAT = 256; DIM = 256; NN = 16; HID = 128; NB = 5; OUT = 3


def index_points(points, idx):
    return jax.vmap(lambda p, i: p[i])(points, idx)


def setup_inputs(seed: int = 0):
    key = jax.random.key(seed)
    ks = jax.random.split(key, 30)
    s = 0.05
    inp = {}
    inp['xyz_q'] = jax.random.normal(ks[0], (B, NQ, 2), jnp.float32)
    inp['lat_rep'] = jax.random.normal(ks[1], (B, LAT), jnp.float32)
    inp['xyz'] = jax.random.normal(ks[2], (B, N, 3), jnp.float32)
    inp['points'] = jax.random.normal(ks[3], (B, N, LAT), jnp.float32)
    inp['Wq'] = jax.random.normal(ks[4], (LAT, DIM), jnp.float32) * s
    inp['Wk'] = jax.random.normal(ks[5], (LAT, DIM), jnp.float32) * s
    inp['Wv'] = jax.random.normal(ks[6], (LAT, DIM), jnp.float32) * s
    inp['Wkg'] = jax.random.normal(ks[7], (LAT, DIM), jnp.float32) * s
    inp['Wvg'] = jax.random.normal(ks[8], (LAT, DIM), jnp.float32) * s
    inp['gW1'] = jax.random.normal(ks[9], (DIM, DIM), jnp.float32) * s
    inp['gb1'] = jnp.zeros((DIM,), jnp.float32)
    inp['gW2'] = jax.random.normal(ks[10], (DIM, DIM), jnp.float32) * s
    inp['gb2'] = jnp.zeros((DIM,), jnp.float32)
    inp['peW'] = jax.random.normal(ks[11], (33, DIM), jnp.float32) * s
    inp['peb'] = jnp.zeros((DIM,), jnp.float32)
    inp['ieW'] = jax.random.normal(ks[12], (DIM, HID), jnp.float32) * s
    inp['ieb'] = jnp.zeros((HID,), jnp.float32)
    inp['fccW'] = jax.random.normal(ks[13], (NB, DIM, HID), jnp.float32) * s
    inp['fccb'] = jnp.zeros((NB, HID), jnp.float32)
    inp['b0W'] = jax.random.normal(ks[14], (NB, HID, HID), jnp.float32) * s
    inp['b0b'] = jnp.zeros((NB, HID), jnp.float32)
    inp['b1W'] = jax.random.normal(ks[15], (NB, HID, HID), jnp.float32) * s
    inp['b1b'] = jnp.zeros((NB, HID), jnp.float32)
    inp['foW'] = jax.random.normal(ks[16], (HID, OUT), jnp.float32) * s
    inp['fob'] = jnp.zeros((OUT,), jnp.float32)
    return inp


def _forward(xyz_q, lat_rep, xyz, points, Wq, Wk, Wv, Wkg, Wvg, gW1, gb1, gW2, gb2, peW, peb, ieW, ieb, fccW, fccb, b0W, b0b, b1W, b1b, foW, fob):
    b, nQ, _ = xyz_q.shape
    # brute-force kNN over 2D projection of point positions
    dists = jnp.sum((xyz_q[:, :, None, :] - xyz[:, None, :, :2]) ** 2, axis=-1)
    knn_idx = jnp.argsort(dists, axis=-1)[:, :, :NN]
    # global latent is 2D [B, LAT] branch of CrossTransformerBlock
    q_attn = jnp.broadcast_to((lat_rep @ Wq)[:, None, :], (b, nQ, DIM))
    k_global = jnp.broadcast_to((lat_rep @ Wkg)[:, None, None, :], (b, nQ, 1, DIM))
    v_global = jnp.broadcast_to((lat_rep @ Wvg)[:, None, None, :], (b, nQ, 1, DIM))
    k_attn = index_points(points @ Wk, knn_idx)
    k_attn = jnp.concatenate([k_attn, k_global], axis=2)
    v_attn = index_points(points @ Wv, knn_idx)
    v_attn = jnp.concatenate([v_attn, v_global], axis=2)
    knn_xyz = index_points(xyz, knn_idx)
    pos_diff = jnp.concatenate([xyz_q[:, :, None, :] - knn_xyz[..., :2], knn_xyz[..., -1:]], axis=-1)
    freq_bands = jnp.linspace(1.0, 2.0 ** 5, 5)
    pos_embeds = [pos_diff]
    for i in range(5):
        pos_embeds.append(jnp.sin(pos_diff * freq_bands[i]))
        pos_embeds.append(jnp.cos(pos_diff * freq_bands[i]))
    pos_embed = jnp.concatenate(pos_embeds, axis=-1)
    pos_encode = pos_embed @ peW + peb
    pos_encode = jnp.concatenate([pos_encode, jnp.zeros((b, nQ, 1, DIM), pos_encode.dtype)], axis=2)
    pre = q_attn[:, :, None, :] - k_attn + pos_encode
    attn = jax.nn.relu(pre @ gW1 + gb1) @ gW2 + gb2
    attn = jax.nn.softmax(attn, axis=-2)
    y = jnp.einsum('bmnf,bmnf->bmf', attn, v_attn + pos_encode)
    # RenderHead
    net = y @ ieW + ieb
    for i in range(NB):
        net = net + y @ fccW[i] + fccb[i]
        h = jax.nn.relu(net) @ b0W[i] + b0b[i]
        dx = jax.nn.relu(h) @ b1W[i] + b1b[i]
        net = net + dx
    return jax.nn.relu(net) @ foW + fob


_ORDER = ['xyz_q', 'lat_rep', 'xyz', 'points', 'Wq', 'Wk', 'Wv', 'Wkg', 'Wvg', 'gW1', 'gb1', 'gW2', 'gb2', 'peW', 'peb', 'ieW', 'ieb', 'fccW', 'fccb', 'b0W', 'b0b', 'b1W', 'b1b', 'foW', 'fob']


def reference(xyz_q, lat_rep, xyz, points, Wq, Wk, Wv, Wkg, Wvg, gW1, gb1, gW2, gb2, peW, peb, ieW, ieb, fccW, fccb, b0W, b0b, b1W, b1b, foW, fob):
    return _forward(xyz_q, lat_rep, xyz, points, Wq, Wk, Wv, Wkg, Wvg, gW1, gb1, gW2, gb2, peW, peb, ieW, ieb, fccW, fccb, b0W, b0b, b1W, b1b, foW, fob)

if __name__ == "__main__":
    import jax
    _d = setup_inputs()
    print(jax.jit(kernel)(*tuple(_d.values())))

</pallas_src>

<mosaic_0001>
#map = affine_map<(d0, d1) -> (0)>
#map1 = affine_map<(d0, d1) -> (0, 0)>
module attributes {stable_mosaic.version = 14 : i64} {
  func.func @gk(%arg0: i32, %arg1: i32, %arg2: memref<65536xi32, #tpu.memory_space<hbm>>, %arg3: memref<4096x256xf32, #tpu.memory_space<hbm>>, %arg4: memref<4096x384xf32, #tpu.memory_space<hbm>>, %arg5: memref<65536x256xf32, #tpu.memory_space<hbm>>, %arg6: memref<65536x384xf32, #tpu.memory_space<hbm>>, %arg7: memref<128xi32, #tpu.memory_space<vmem>>, %arg8: memref<128x256xf32, #tpu.memory_space<vmem>>, %arg9: memref<128x384xf32, #tpu.memory_space<vmem>>, %arg10: memref<!tpu.dma_semaphore, #tpu.memory_space<semaphore_mem>>) attributes {dimension_semantics = [#tpu.dimension_semantics<core_parallel>, #tpu.dimension_semantics<subcore_parallel>], iteration_bounds = array<i64: 2, 16>, scalar_prefetch = 0 : i64, scratch_operands = 4 : i64, tpu.core_type = #tpu.core_type<sc_vector_subcore>, window_params = [{transform_indices = #map}, {transform_indices = #map1}, {transform_indices = #map1}, {transform_indices = #map1}, {transform_indices = #map1}]} {
    %mul3A = arith.constant 2 : i32
    %mul3A_0 = arith.muli %arg1, %mul3A : i32
    %add3A = arith.addi %mul3A_0, %arg0 : i32
    %mul3A_1 = arith.constant 2048 : i32
    %mul3A_2 = arith.muli %add3A, %mul3A_1 : i32
    %scan3A = arith.constant 0 : i32
    %scan3A_3 = arith.constant 16 : i32
    %scan3A_4 = arith.addi %scan3A, %scan3A_3 : i32
    %scan3A_5 = arith.constant 1 : i32
    scf.for %scan3A_7 = %scan3A to %scan3A_4 step %scan3A_5  : i32 {
      %mul3A_8 = arith.constant 1 : i32
      %mul3A_9 = arith.muli %scan3A_7, %mul3A_8 : i32
      %add3A_10 = arith.constant 0 : i32
      %add3A_11 = arith.addi %add3A_10, %mul3A_9 : i32
      %mul3A_12 = arith.constant 128 : i32
      %mul3A_13 = arith.muli %add3A_11, %mul3A_12 : i32
      %add3A_14 = arith.addi %mul3A_2, %mul3A_13 : i32
      "tpu.region"() ({
        %run_scoped3A = tpu.sem_alloc : memref<!tpu.dma_semaphore, #tpu.memory_space<semaphore_mem>>
        %dma_start3A_25 = tpu.memref_slice %arg2[%add3A_14] : memref<65536xi32, #tpu.memory_space<hbm>> -> memref<128xi32, #tpu.memory_space<hbm>>
        %dma_start3A_26 = tpu.memref_slice %arg2[%add3A_14] : memref<65536xi32, #tpu.memory_space<hbm>> -> memref<128xi32, #tpu.memory_space<hbm>>
        tpu.enqueue_dma source(%dma_start3A_26 : memref<128xi32, #tpu.memory_space<hbm>>) target(%arg7 : memref<128xi32, #tpu.memory_space<vmem>>) target_semaphore(%run_scoped3A : memref<!tpu.dma_semaphore, #tpu.memory_space<semaphore_mem>>)
        %dma_wait3A_27 = tpu.memref_slice %arg2[%add3A_14] : memref<65536xi32, #tpu.memory_space<hbm>> -> memref<128xi32, #tpu.memory_space<hbm>>
        %dma_wait3A_28 = tpu.memref_slice %arg2[%add3A_14] : memref<65536xi32, #tpu.memory_space<hbm>> -> memref<128xi32, #tpu.memory_space<hbm>>
        tpu.wait_dma2 semaphore(%run_scoped3A : memref<!tpu.dma_semaphore, #tpu.memory_space<semaphore_mem>>) src(%dma_wait3A_28 : memref<128xi32, #tpu.memory_space<hbm>>) dst(%arg7 : memref<128xi32, #tpu.memory_space<vmem>>)
        tpu.yield
      }) : () -> ()
      %dma_start3A = arith.constant 0 : i32
      %dma_start3A_15 = arith.constant 0 : i32
      %dma_start3A_16 = tpu.memref_slice %arg3[%dma_start3A, %dma_start3A_15] : memref<4096x256xf32, #tpu.memory_space<hbm>> -> memref<4096x256xf32, #tpu.memory_space<hbm>>
      tpu.enqueue_indirect_dma source(%dma_start3A_16 : memref<4096x256xf32, #tpu.memory_space<hbm>>) target(%arg8 : memref<128x256xf32, #tpu.memory_space<vmem>>) offsets(%arg7 : memref<128xi32, #tpu.memory_space<vmem>>) semaphore(%arg10 : memref<!tpu.dma_semaphore, #tpu.memory_space<semaphore_mem>>)
      %dma_wait3A = arith.constant 0 : i32
      %dma_wait3A_17 = arith.constant 0 : i32
      %dma_wait3A_18 = tpu.memref_slice %arg3[%dma_wait3A, %dma_wait3A_17] : memref<4096x256xf32, #tpu.memory_space<hbm>> -> memref<4096x256xf32, #tpu.memory_space<hbm>>
      tpu.wait_indirect_dma semaphore(%arg10 : memref<!tpu.dma_semaphore, #tpu.memory_space<semaphore_mem>>) src(%dma_wait3A_18 : memref<4096x256xf32, #tpu.memory_space<hbm>>) dst(%arg8 : memref<128x256xf32, #tpu.memory_space<vmem>>)
      "tpu.region"() ({
        %run_scoped3A = tpu.sem_alloc : memref<!tpu.dma_semaphore, #tpu.memory_space<semaphore_mem>>
        %dma_start3A_25 = arith.constant 0 : i32
        %dma_start3A_26 = tpu.memref_slice %arg5[%add3A_14, %dma_start3A_25] : memref<65536x256xf32, #tpu.memory_space<hbm>> -> memref<128x256xf32, #tpu.memory_space<hbm>>
        %dma_start3A_27 = arith.constant 0 : i32
        %dma_start3A_28 = tpu.memref_slice %arg5[%add3A_14, %dma_start3A_27] : memref<65536x256xf32, #tpu.memory_space<hbm>> -> memref<128x256xf32, #tpu.memory_space<hbm>>
        tpu.enqueue_dma source(%arg8 : memref<128x256xf32, #tpu.memory_space<vmem>>) target(%dma_start3A_28 : memref<128x256xf32, #tpu.memory_space<hbm>>) target_semaphore(%run_scoped3A : memref<!tpu.dma_semaphore, #tpu.memory_space<semaphore_mem>>)
        %dma_wait3A_29 = arith.constant 0 : i32
        %dma_wait3A_30 = tpu.memref_slice %arg5[%add3A_14, %dma_wait3A_29] : memref<65536x256xf32, #tpu.memory_space<hbm>> -> memref<128x256xf32, #tpu.memory_space<hbm>>
        %dma_wait3A_31 = arith.constant 0 : i32
        %dma_wait3A_32 = tpu.memref_slice %arg5[%add3A_14, %dma_wait3A_31] : memref<65536x256xf32, #tpu.memory_space<hbm>> -> memref<128x256xf32, #tpu.memory_space<hbm>>
        tpu.wait_dma2 semaphore(%run_scoped3A : memref<!tpu.dma_semaphore, #tpu.memory_space<semaphore_mem>>) src(%arg8 : memref<128x256xf32, #tpu.memory_space<vmem>>) dst(%dma_wait3A_32 : memref<128x256xf32, #tpu.memory_space<hbm>>)
        tpu.yield
      }) : () -> ()
      %dma_start3A_19 = arith.constant 0 : i32
      %dma_start3A_20 = arith.constant 0 : i32
      %dma_start3A_21 = tpu.memref_slice %arg4[%dma_start3A_19, %dma_start3A_20] : memref<4096x384xf32, #tpu.memory_space<hbm>> -> memref<4096x384xf32, #tpu.memory_space<hbm>>
      tpu.enqueue_indirect_dma source(%dma_start3A_21 : memref<4096x384xf32, #tpu.memory_space<hbm>>) target(%arg9 : memref<128x384xf32, #tpu.memory_space<vmem>>) offsets(%arg7 : memref<128xi32, #tpu.memory_space<vmem>>) semaphore(%arg10 : memref<!tpu.dma_semaphore, #tpu.memory_space<semaphore_mem>>)
      %dma_wait3A_22 = arith.constant 0 : i32
      %dma_wait3A_23 = arith.constant 0 : i32
      %dma_wait3A_24 = tpu.memref_slice %arg4[%dma_wait3A_22, %dma_wait3A_23] : memref<4096x384xf32, #tpu.memory_space<hbm>> -> memref<4096x384xf32, #tpu.memory_space<hbm>>
      tpu.wait_indirect_dma semaphore(%arg10 : memref<!tpu.dma_semaphore, #tpu.memory_space<semaphore_mem>>) src(%dma_wait3A_24 : memref<4096x384xf32, #tpu.memory_space<hbm>>) dst(%arg9 : memref<128x384xf32, #tpu.memory_space<vmem>>)
      "tpu.region"() ({
        %run_scoped3A = tpu.sem_alloc : memref<!tpu.dma_semaphore, #tpu.memory_space<semaphore_mem>>
        %dma_start3A_25 = arith.constant 0 : i32
        %dma_start3A_26 = tpu.memref_slice %arg6[%add3A_14, %dma_start3A_25] : memref<65536x384xf32, #tpu.memory_space<hbm>> -> memref<128x384xf32, #tpu.memory_space<hbm>>
        %dma_start3A_27 = arith.constant 0 : i32
        %dma_start3A_28 = tpu.memref_slice %arg6[%add3A_14, %dma_start3A_27] : memref<65536x384xf32, #tpu.memory_space<hbm>> -> memref<128x384xf32, #tpu.memory_space<hbm>>
        tpu.enqueue_dma source(%arg9 : memref<128x384xf32, #tpu.memory_space<vmem>>) target(%dma_start3A_28 : memref<128x384xf32, #tpu.memory_space<hbm>>) target_semaphore(%run_scoped3A : memref<!tpu.dma_semaphore, #tpu.memory_space<semaphore_mem>>)
        %dma_wait3A_29 = arith.constant 0 : i32
        %dma_wait3A_30 = tpu.memref_slice %arg6[%add3A_14, %dma_wait3A_29] : memref<65536x384xf32, #tpu.memory_space<hbm>> -> memref<128x384xf32, #tpu.memory_space<hbm>>
        %dma_wait3A_31 = arith.constant 0 : i32
        %dma_wait3A_32 = tpu.memref_slice %arg6[%add3A_14, %dma_wait3A_31] : memref<65536x384xf32, #tpu.memory_space<hbm>> -> memref<128x384xf32, #tpu.memory_space<hbm>>
        tpu.wait_dma2 semaphore(%run_scoped3A : memref<!tpu.dma_semaphore, #tpu.memory_space<semaphore_mem>>) src(%arg9 : memref<128x384xf32, #tpu.memory_space<vmem>>) dst(%dma_wait3A_32 : memref<128x384xf32, #tpu.memory_space<hbm>>)
        tpu.yield
      }) : () -> ()
    }
    %scan3A_6 = arith.constant 16 : i32
    return
  }
}

module attributes {stable_mosaic.version = 14 : i64} {
  func.func @_topk_body(%arg0: i32, %arg1: i32, %arg2: memref<1x256x2xf32, #tpu.memory_space<vmem>>, %arg3: memref<1x2x2048xf32, #tpu.memory_space<vmem>>, %arg4: memref<1x256x16xi32, #tpu.memory_space<vmem>>) attributes {dimension_semantics = [#tpu.dimension_semantics<arbitrary>, #tpu.dimension_semantics<arbitrary>], iteration_bounds = array<i64: 2, 8>, scalar_prefetch = 0 : i64, scratch_operands = 0 : i64, tpu.core_type = #tpu.core_type<tc>, window_params = [{transform_indices = @transform_0, window_bounds = array<i64: 1, 256, 2>}, {transform_indices = @transform_1, window_bounds = array<i64: 1, 2, 2048>}, {transform_indices = @transform_2, window_bounds = array<i64: 1, 256, 16>}]} {
    %get3A = arith.constant 0 : index
    %get3A_0 = arith.constant 0 : index
    %get3A_1 = arith.constant 0 : index
    %get3A_2 = vector.load %arg2[%get3A, %get3A_0, %get3A_1] : memref<1x256x2xf32, #tpu.memory_space<vmem>>, vector<1x256x2xf32>
    %get3A_3 = vector.shape_cast %get3A_2 : vector<1x256x2xf32> to vector<256x2xf32>
    %get3A_4 = arith.constant 0 : index
    %get3A_5 = arith.constant 0 : index
    %get3A_6 = arith.constant 0 : index
    %get3A_7 = vector.load %arg3[%get3A_4, %get3A_5, %get3A_6] : memref<1x2x2048xf32, #tpu.memory_space<vmem>>, vector<1x2x2048xf32>
    %get3A_8 = vector.shape_cast %get3A_7 : vector<1x2x2048xf32> to vector<2x2048xf32>
    %slice3A = vector.extract_strided_slice %get3A_3 {offsets = [0, 0], sizes = [256, 1], strides = [1, 1]} : vector<256x2xf32> to vector<256x1xf32>
    %slice3A_9 = vector.extract_strided_slice %get3A_3 {offsets = [0, 1], sizes = [256, 1], strides = [1, 1]} : vector<256x2xf32> to vector<256x1xf32>
    %slice3A_10 = vector.extract_strided_slice %get3A_8 {offsets = [0, 0], sizes = [1, 2048], strides = [1, 1]} : vector<2x2048xf32> to vector<1x2048xf32>
    %slice3A_11 = vector.extract_strided_slice %get3A_8 {offsets = [1, 0], sizes = [1, 2048], strides = [1, 1]} : vector<2x2048xf32> to vector<1x2048xf32>
    %sub3A = vector.broadcast %slice3A : vector<256x1xf32> to vector<256x2048xf32>
    %sub3A_12 = vector.broadcast %slice3A_10 : vector<1x2048xf32> to vector<256x2048xf32>
    %sub3A_13 = arith.subf %sub3A, %sub3A_12 : vector<256x2048xf32>
    %integer_pow3A = arith.mulf %sub3A_13, %sub3A_13 : vector<256x2048xf32>
    %sub3A_14 = vector.broadcast %slice3A_9 : vector<256x1xf32> to vector<256x2048xf32>
    %sub3A_15 = vector.broadcast %slice3A_11 : vector<1x2048xf32> to vector<256x2048xf32>
    %sub3A_16 = arith.subf %sub3A_14, %sub3A_15 : vector<256x2048xf32>
    %integer_pow3A_17 = arith.mulf %sub3A_16, %sub3A_16 : vector<256x2048xf32>
    %add3A = arith.addf %integer_pow3A, %integer_pow3A_17 : vector<256x2048xf32>
    %iota3A = tpu.iota {dimensions = array<i32: 1>} : vector<256x2048xi32>
    %convert_element_type3A = arith.sitofp %iota3A : vector<256x2048xi32> to vector<256x2048xf32>
    %reduce_min3A = arith.constant dense<0x7F800000> : vector<256xf32>
    %reduce_min3A_18 = vector.multi_reduction <minimumf>, %add3A, %reduce_min3A [1] : vector<256x2048xf32> to vector<256xf32>
    %broadcast_in_dim3A = vector.shape_cast %reduce_min3A_18 : vector<256xf32> to vector<256x1xf32>
    %eq3A = vector.broadcast %broadcast_in_dim3A : vector<256x1xf32> to vector<256x2048xf32>
    %eq3A_19 = arith.cmpf oeq, %add3A, %eq3A : vector<256x2048xf32>
    %jit3A = arith.constant 2.048000e+03 : f32
    %broadcast_in_dim3A_20 = vector.broadcast %jit3A : f32 to vector<256x2048xf32>
    %select_n3A = arith.select %eq3A_19, %convert_element_type3A, %broadcast_in_dim3A_20 : vector<256x2048xi1>, vector<256x2048xf32>
    %reduce_min3A_21 = arith.constant dense<0x7F800000> : vector<256xf32>
    %reduce_min3A_22 = vector.multi_reduction <minimumf>, %select_n3A, %reduce_min3A_21 [1] : vector<256x2048xf32> to vector<256xf32>
    %broadcast_in_dim3A_23 = vector.shape_cast %reduce_min3A_22 : vector<256xf32> to vector<256x1xf32>
    %eq3A_24 = vector.broadcast %broadcast_in_dim3A_23 : vector<256x1xf32> to vector<256x2048xf32>
    %eq3A_25 = arith.cmpf oeq, %convert_element_type3A, %eq3A_24 : vector<256x2048xf32>
    %jit3A_26 = arith.constant 3.000000e+38 : f32
    %broadcast_in_dim3A_27 = vector.broadcast %jit3A_26 : f32 to vector<256x2048xf32>
    %select_n3A_28 = arith.select %eq3A_25, %broadcast_in_dim3A_27, %add3A : vector<256x2048xi1>, vector<256x2048xf32>
    %reduce_min3A_29 = arith.constant dense<0x7F800000> : vector<256xf32>
    %reduce_min3A_30 = vector.multi_reduction <minimumf>, %select_n3A_28, %reduce_min3A_29 [1] : vector<256x2048xf32> to vector<256xf32>
    %broadcast_in_dim3A_31 = vector.shape_cast %reduce_min3A_30 : vector<256xf32> to vector<256x1xf32>
    %eq3A_32 = vector.broadcast %broadcast_in_dim3A_31 : vector<256x1xf32> to vector<256x2048xf32>
    %eq3A_33 = arith.cmpf oeq, %select_n3A_28, %eq3A_32 : vector<256x2048xf32>
    %jit3A_34 = arith.constant 2.048000e+03 : f32
    %broadcast_in_dim3A_35 = vector.broadcast %jit3A_34 : f32 to vector<256x2048xf32>
    %select_n3A_36 = arith.select %eq3A_33, %convert_element_type3A, %broadcast_in_dim3A_35 : vector<256x2048xi1>, vector<256x2048xf32>
    %reduce_min3A_37 = arith.constant dense<0x7F800000> : vector<256xf32>
    %reduce_min3A_38 = vector.multi_reduction <minimumf>, %select_n3A_36, %reduce_min3A_37 [1] : vector<256x2048xf32> to vector<256xf32>
    %broadcast_in_dim3A_39 = vector.shape_cast %reduce_min3A_38 : vector<256xf32> to vector<256x1xf32>
    %eq3A_40 = vector.broadcast %broadcast_in_dim3A_39 : vector<256x1xf32> to vector<256x2048xf32>
    %eq3A_41 = arith.cmpf oeq, %convert_element_type3A, %eq3A_40 : vector<256x2048xf32>
    %jit3A_42 = arith.constant 3.000000e+38 : f32
    %broadcast_in_dim3A_43 = vector.broadcast %jit3A_42 : f32 to vector<256x2048xf32>
    %select_n3A_44 = arith.select %eq3A_41, %broadcast_in_dim3A_43, %select_n3A_28 : vector<256x2048xi1>, vector<256x2048xf32>
    %reduce_min3A_45 = arith.constant dense<0x7F800000> : vector<256xf32>
    %reduce_min3A_46 = vector.multi_reduction <minimumf>, %select_n3A_44, %reduce_min3A_45 [1] : vector<256x2048xf32> to vector<256xf32>
    %broadcast_in_dim3A_47 = vector.shape_cast %reduce_min3A_46 : vector<256xf32> to vector<256x1xf32>
    %eq3A_48 = vector.broadcast %broadcast_in_dim3A_47 : vector<256x1xf32> to vector<256x2048xf32>
    %eq3A_49 = arith.cmpf oeq, %select_n3A_44, %eq3A_48 : vector<256x2048xf32>
    %jit3A_50 = arith.constant 2.048000e+03 : f32
    %broadcast_in_dim3A_51 = vector.broadcast %jit3A_50 : f32 to vector<256x2048xf32>
    %select_n3A_52 = arith.select %eq3A_49, %convert_element_type3A, %broadcast_in_dim3A_51 : vector<256x2048xi1>, vector<256x2048xf32>
    %reduce_min3A_53 = arith.constant dense<0x7F800000> : vector<256xf32>
    %reduce_min3A_54 = vector.multi_reduction <minimumf>, %select_n3A_52, %reduce_min3A_53 [1] : vector<256x2048xf32> to vector<256xf32>
    %broadcast_in_dim3A_55 = vector.shape_cast %reduce_min3A_54 : vector<256xf32> to vector<256x1xf32>
    %eq3A_56 = vector.broadcast %broadcast_in_dim3A_55 : vector<256x1xf32> to vector<256x2048xf32>
    %eq3A_57 = arith.cmpf oeq, %convert_element_type3A, %eq3A_56 : vector<256x2048xf32>
    %jit3A_58 = arith.constant 3.000000e+38 : f32
    %broadcast_in_dim3A_59 = vector.broadcast %jit3A_58 : f32 to vector<256x2048xf32>
    %select_n3A_60 = arith.select %eq3A_57, %broadcast_in_dim3A_59, %select_n3A_44 : vector<256x2048xi1>, vector<256x2048xf32>
    %reduce_min3A_61 = arith.constant dense<0x7F800000> : vector<256xf32>
    %reduce_min3A_62 = vector.multi_reduction <minimumf>, %select_n3A_60, %reduce_min3A_61 [1] : vector<256x2048xf32> to vector<256xf32>
    %broadcast_in_dim3A_63 = vector.shape_cast %reduce_min3A_62 : vector<256xf32> to vector<256x1xf32>
    %eq3A_64 = vector.broadcast %broadcast_in_dim3A_63 : vector<256x1xf32> to vector<256x2048xf32>
    %eq3A_65 = arith.cmpf oeq, %select_n3A_60, %eq3A_64 : vector<256x2048xf32>
    %jit3A_66 = arith.constant 2.048000e+03 : f32
    %broadcast_in_dim3A_67 = vector.broadcast %jit3A_66 : f32 to vector<256x2048xf32>
    %select_n3A_68 = arith.select %eq3A_65, %convert_element_type3A, %broadcast_in_dim3A_67 : vector<256x2048xi1>, vector<256x2048xf32>
    %reduce_min3A_69 = arith.constant dense<0x7F800000> : vector<256xf32>
    %reduce_min3A_70 = vector.multi_reduction <minimumf>, %select_n3A_68, %reduce_min3A_69 [1] : vector<256x2048xf32> to vector<256xf32>
    %broadcast_in_dim3A_71 = vector.shape_cast %reduce_min3A_70 : vector<256xf32> to vector<256x1xf32>
    %eq3A_72 = vector.broadcast %broadcast_in_dim3A_71 : vector<256x1xf32> to vector<256x2048xf32>
    %eq3A_73 = arith.cmpf oeq, %convert_element_type3A, %eq3A_72 : vector<256x2048xf32>
    %jit3A_74 = arith.constant 3.000000e+38 : f32
    %broadcast_in_dim3A_75 = vector.broadcast %jit3A_74 : f32 to vector<256x2048xf32>
    %select_n3A_76 = arith.select %eq3A_73, %broadcast_in_dim3A_75, %select_n3A_60 : vector<256x2048xi1>, vector<256x2048xf32>
    %reduce_min3A_77 = arith.constant dense<0x7F800000> : vector<256xf32>
    %reduce_min3A_78 = vector.multi_reduction <minimumf>, %select_n3A_76, %reduce_min3A_77 [1] : vector<256x2048xf32> to vector<256xf32>
    %broadcast_in_dim3A_79 = vector.shape_cast %reduce_min3A_78 : vector<256xf32> to vector<256x1xf32>
    %eq3A_80 = vector.broadcast %broadcast_in_dim3A_79 : vector<256x1xf32> to vector<256x2048xf32>
    %eq3A_81 = arith.cmpf oeq, %select_n3A_76, %eq3A_80 : vector<256x2048xf32>
    %jit3A_82 = arith.constant 2.048000e+03 : f32
    %broadcast_in_dim3A_83 = vector.broadcast %jit3A_82 : f32 to vector<256x2048xf32>
    %select_n3A_84 = arith.select %eq3A_81, %convert_element_type3A, %broadcast_in_dim3A_83 : vector<256x2048xi1>, vector<256x2048xf32>
    %reduce_min3A_85 = arith.constant dense<0x7F800000> : vector<256xf32>
    %reduce_min3A_86 = vector.multi_reduction <minimumf>, %select_n3A_84, %reduce_min3A_85 [1] : vector<256x2048xf32> to vector<256xf32>
    %broadcast_in_dim3A_87 = vector.shape_cast %reduce_min3A_86 : vector<256xf32> to vector<256x1xf32>
    %eq3A_88 = vector.broadcast %broadcast_in_dim3A_87 : vector<256x1xf32> to vector<256x2048xf32>
    %eq3A_89 = arith.cmpf oeq, %convert_element_type3A, %eq3A_88 : vector<256x2048xf32>
    %jit3A_90 = arith.constant 3.000000e+38 : f32
    %broadcast_in_dim3A_91 = vector.broadcast %jit3A_90 : f32 to vector<256x2048xf32>
    %select_n3A_92 = arith.select %eq3A_89, %broadcast_in_dim3A_91, %select_n3A_76 : vector<256x2048xi1>, vector<256x2048xf32>
    %reduce_min3A_93 = arith.constant dense<0x7F800000> : vector<256xf32>
    %reduce_min3A_94 = vector.multi_reduction <minimumf>, %select_n3A_92, %reduce_min3A_93 [1] : vector<256x2048xf32> to vector<256xf32>
    %broadcast_in_dim3A_95 = vector.shape_cast %reduce_min3A_94 : vector<256xf32> to vector<256x1xf32>
    %eq3A_96 = vector.broadcast %broadcast_in_dim3A_95 : vector<256x1xf32> to vector<256x2048xf32>
    %eq3A_97 = arith.cmpf oeq, %select_n3A_92, %eq3A_96 : vector<256x2048xf32>
    %jit3A_98 = arith.constant 2.048000e+03 : f32
    %broadcast_in_dim3A_99 = vector.broadcast %jit3A_98 : f32 to vector<256x2048xf32>
    %select_n3A_100 = arith.select %eq3A_97, %convert_element_type3A, %broadcast_in_dim3A_99 : vector<256x2048xi1>, vector<256x2048xf32>
    %reduce_min3A_101 = arith.constant dense<0x7F800000> : vector<256xf32>
    %reduce_min3A_102 = vector.multi_reduction <minimumf>, %select_n3A_100, %reduce_min3A_101 [1] : vector<256x2048xf32> to vector<256xf32>
    %broadcast_in_dim3A_103 = vector.shape_cast %reduce_min3A_102 : vector<256xf32> to vector<256x1xf32>
    %eq3A_104 = vector.broadcast %broadcast_in_dim3A_103 : vector<256x1xf32> to vector<256x2048xf32>
    %eq3A_105 = arith.cmpf oeq, %convert_element_type3A, %eq3A_104 : vector<256x2048xf32>
    %jit3A_106 = arith.constant 3.000000e+38 : f32
    %broadcast_in_dim3A_107 = vector.broadcast %jit3A_106 : f32 to vector<256x2048xf32>
    %select_n3A_108 = arith.select %eq3A_105, %broadcast_in_dim3A_107, %select_n3A_92 : vector<256x2048xi1>, vector<256x2048xf32>
    %reduce_min3A_109 = arith.constant dense<0x7F800000> : vector<256xf32>
    %reduce_min3A_110 = vector.multi_reduction <minimumf>, %select_n3A_108, %reduce_min3A_109 [1] : vector<256x2048xf32> to vector<256xf32>
    %broadcast_in_dim3A_111 = vector.shape_cast %reduce_min3A_110 : vector<256xf32> to vector<256x1xf32>
    %eq3A_112 = vector.broadcast %broadcast_in_dim3A_111 : vector<256x1xf32> to vector<256x2048xf32>
    %eq3A_113 = arith.cmpf oeq, %select_n3A_108, %eq3A_112 : vector<256x2048xf32>
    %jit3A_114 = arith.constant 2.048000e+03 : f32
    %broadcast_in_dim3A_115 = vector.broadcast %jit3A_114 : f32 to vector<256x2048xf32>
    %select_n3A_116 = arith.select %eq3A_113, %convert_element_type3A, %broadcast_in_dim3A_115 : vector<256x2048xi1>, vector<256x2048xf32>
    %reduce_min3A_117 = arith.constant dense<0x7F800000> : vector<256xf32>
    %reduce_min3A_118 = vector.multi_reduction <minimumf>, %select_n3A_116, %reduce_min3A_117 [1] : vector<256x2048xf32> to vector<256xf32>
    %broadcast_in_dim3A_119 = vector.shape_cast %reduce_min3A_118 : vector<256xf32> to vector<256x1xf32>
    %eq3A_120 = vector.broadcast %broadcast_in_dim3A_119 : vector<256x1xf32> to vector<256x2048xf32>
    %eq3A_121 = arith.cmpf oeq, %convert_element_type3A, %eq3A_120 : vector<256x2048xf32>
    %jit3A_122 = arith.constant 3.000000e+38 : f32
    %broadcast_in_dim3A_123 = vector.broadcast %jit3A_122 : f32 to vector<256x2048xf32>
    %select_n3A_124 = arith.select %eq3A_121, %broadcast_in_dim3A_123, %select_n3A_108 : vector<256x2048xi1>, vector<256x2048xf32>
    %reduce_min3A_125 = arith.constant dense<0x7F800000> : vector<256xf32>
    %reduce_min3A_126 = vector.multi_reduction <minimumf>, %select_n3A_124, %reduce_min3A_125 [1] : vector<256x2048xf32> to vector<256xf32>
    %broadcast_in_dim3A_127 = vector.shape_cast %reduce_min3A_126 : vector<256xf32> to vector<256x1xf32>
    %eq3A_128 = vector.broadcast %broadcast_in_dim3A_127 : vector<256x1xf32> to vector<256x2048xf32>
    %eq3A_129 = arith.cmpf oeq, %select_n3A_124, %eq3A_128 : vector<256x2048xf32>
    %jit3A_130 = arith.constant 2.048000e+03 : f32
    %broadcast_in_dim3A_131 = vector.broadcast %jit3A_130 : f32 to vector<256x2048xf32>
    %select_n3A_132 = arith.select %eq3A_129, %convert_element_type3A, %broadcast_in_dim3A_131 : vector<256x2048xi1>, vector<256x2048xf32>
    %reduce_min3A_133 = arith.constant dense<0x7F800000> : vector<256xf32>
    %reduce_min3A_134 = vector.multi_reduction <minimumf>, %select_n3A_132, %reduce_min3A_133 [1] : vector<256x2048xf32> to vector<256xf32>
    %broadcast_in_dim3A_135 = vector.shape_cast %reduce_min3A_134 : vector<256xf32> to vector<256x1xf32>
    %eq3A_136 = vector.broadcast %broadcast_in_dim3A_135 : vector<256x1xf32> to vector<256x2048xf32>
    %eq3A_137 = arith.cmpf oeq, %convert_element_type3A, %eq3A_136 : vector<256x2048xf32>
    %jit3A_138 = arith.constant 3.000000e+38 : f32
    %broadcast_in_dim3A_139 = vector.broadcast %jit3A_138 : f32 to vector<256x2048xf32>
    %select_n3A_140 = arith.select %eq3A_137, %broadcast_in_dim3A_139, %select_n3A_124 : vector<256x2048xi1>, vector<256x2048xf32>
    %reduce_min3A_141 = arith.constant dense<0x7F800000> : vector<256xf32>
    %reduce_min3A_142 = vector.multi_reduction <minimumf>, %select_n3A_140, %reduce_min3A_141 [1] : vector<256x2048xf32> to vector<256xf32>
    %broadcast_in_dim3A_143 = vector.shape_cast %reduce_min3A_142 : vector<256xf32> to vector<256x1xf32>
    %eq3A_144 = vector.broadcast %broadcast_in_dim3A_143 : vector<256x1xf32> to vector<256x2048xf32>
    %eq3A_145 = arith.cmpf oeq, %select_n3A_140, %eq3A_144 : vector<256x2048xf32>
    %jit3A_146 = arith.constant 2.048000e+03 : f32
    %broadcast_in_dim3A_147 = vector.broadcast %jit3A_146 : f32 to vector<256x2048xf32>
    %select_n3A_148 = arith.select %eq3A_145, %convert_element_type3A, %broadcast_in_dim3A_147 : vector<256x2048xi1>, vector<256x2048xf32>
    %reduce_min3A_149 = arith.constant dense<0x7F800000> : vector<256xf32>
    %reduce_min3A_150 = vector.multi_reduction <minimumf>, %select_n3A_148, %reduce_min3A_149 [1] : vector<256x2048xf32> to vector<256xf32>
    %broadcast_in_dim3A_151 = vector.shape_cast %reduce_min3A_150 : vector<256xf32> to vector<256x1xf32>
    %eq3A_152 = vector.broadcast %broadcast_in_dim3A_151 : vector<256x1xf32> to vector<256x2048xf32>
    %eq3A_153 = arith.cmpf oeq, %convert_element_type3A, %eq3A_152 : vector<256x2048xf32>
    %jit3A_154 = arith.constant 3.000000e+38 : f32
    %broadcast_in_dim3A_155 = vector.broadcast %jit3A_154 : f32 to vector<256x2048xf32>
    %select_n3A_156 = arith.select %eq3A_153, %broadcast_in_dim3A_155, %select_n3A_140 : vector<256x2048xi1>, vector<256x2048xf32>
    %reduce_min3A_157 = arith.constant dense<0x7F800000> : vector<256xf32>
    %reduce_min3A_158 = vector.multi_reduction <minimumf>, %select_n3A_156, %reduce_min3A_157 [1] : vector<256x2048xf32> to vector<256xf32>
    %broadcast_in_dim3A_159 = vector.shape_cast %reduce_min3A_158 : vector<256xf32> to vector<256x1xf32>
    %eq3A_160 = vector.broadcast %broadcast_in_dim3A_159 : vector<256x1xf32> to vector<256x2048xf32>
    %eq3A_161 = arith.cmpf oeq, %select_n3A_156, %eq3A_160 : vector<256x2048xf32>
    %jit3A_162 = arith.constant 2.048000e+03 : f32
    %broadcast_in_dim3A_163 = vector.broadcast %jit3A_162 : f32 to vector<256x2048xf32>
    %select_n3A_164 = arith.select %eq3A_161, %convert_element_type3A, %broadcast_in_dim3A_163 : vector<256x2048xi1>, vector<256x2048xf32>
    %reduce_min3A_165 = arith.constant dense<0x7F800000> : vector<256xf32>
    %reduce_min3A_166 = vector.multi_reduction <minimumf>, %select_n3A_164, %reduce_min3A_165 [1] : vector<256x2048xf32> to vector<256xf32>
    %broadcast_in_dim3A_167 = vector.shape_cast %reduce_min3A_166 : vector<256xf32> to vector<256x1xf32>
    %eq3A_168 = vector.broadcast %broadcast_in_dim3A_167 : vector<256x1xf32> to vector<256x2048xf32>
    %eq3A_169 = arith.cmpf oeq, %convert_element_type3A, %eq3A_168 : vector<256x2048xf32>
    %jit3A_170 = arith.constant 3.000000e+38 : f32
    %broadcast_in_dim3A_171 = vector.broadcast %jit3A_170 : f32 to vector<256x2048xf32>
    %select_n3A_172 = arith.select %eq3A_169, %broadcast_in_dim3A_171, %select_n3A_156 : vector<256x2048xi1>, vector<256x2048xf32>
    %reduce_min3A_173 = arith.constant dense<0x7F800000> : vector<256xf32>
    %reduce_min3A_174 = vector.multi_reduction <minimumf>, %select_n3A_172, %reduce_min3A_173 [1] : vector<256x2048xf32> to vector<256xf32>
    %broadcast_in_dim3A_175 = vector.shape_cast %reduce_min3A_174 : vector<256xf32> to vector<256x1xf32>
    %eq3A_176 = vector.broadcast %broadcast_in_dim3A_175 : vector<256x1xf32> to vector<256x2048xf32>
    %eq3A_177 = arith.cmpf oeq, %select_n3A_172, %eq3A_176 : vector<256x2048xf32>
    %jit3A_178 = arith.constant 2.048000e+03 : f32
    %broadcast_in_dim3A_179 = vector.broadcast %jit3A_178 : f32 to vector<256x2048xf32>
    %select_n3A_180 = arith.select %eq3A_177, %convert_element_type3A, %broadcast_in_dim3A_179 : vector<256x2048xi1>, vector<256x2048xf32>
    %reduce_min3A_181 = arith.constant dense<0x7F800000> : vector<256xf32>
    %reduce_min3A_182 = vector.multi_reduction <minimumf>, %select_n3A_180, %reduce_min3A_181 [1] : vector<256x2048xf32> to vector<256xf32>
    %broadcast_in_dim3A_183 = vector.shape_cast %reduce_min3A_182 : vector<256xf32> to vector<256x1xf32>
    %eq3A_184 = vector.broadcast %broadcast_in_dim3A_183 : vector<256x1xf32> to vector<256x2048xf32>
    %eq3A_185 = arith.cmpf oeq, %convert_element_type3A, %eq3A_184 : vector<256x2048xf32>
    %jit3A_186 = arith.constant 3.000000e+38 : f32
    %broadcast_in_dim3A_187 = vector.broadcast %jit3A_186 : f32 to vector<256x2048xf32>
    %select_n3A_188 = arith.select %eq3A_185, %broadcast_in_dim3A_187, %select_n3A_172 : vector<256x2048xi1>, vector<256x2048xf32>
    %reduce_min3A_189 = arith.constant dense<0x7F800000> : vector<256xf32>
    %reduce_min3A_190 = vector.multi_reduction <minimumf>, %select_n3A_188, %reduce_min3A_189 [1] : vector<256x2048xf32> to vector<256xf32>
    %broadcast_in_dim3A_191 = vector.shape_cast %reduce_min3A_190 : vector<256xf32> to vector<256x1xf32>
    %eq3A_192 = vector.broadcast %broadcast_in_dim3A_191 : vector<256x1xf32> to vector<256x2048xf32>
    %eq3A_193 = arith.cmpf oeq, %select_n3A_188, %eq3A_192 : vector<256x2048xf32>
    %jit3A_194 = arith.constant 2.048000e+03 : f32
    %broadcast_in_dim3A_195 = vector.broadcast %jit3A_194 : f32 to vector<256x2048xf32>
    %select_n3A_196 = arith.select %eq3A_193, %convert_element_type3A, %broadcast_in_dim3A_195 : vector<256x2048xi1>, vector<256x2048xf32>
    %reduce_min3A_197 = arith.constant dense<0x7F800000> : vector<256xf32>
    %reduce_min3A_198 = vector.multi_reduction <minimumf>, %select_n3A_196, %reduce_min3A_197 [1] : vector<256x2048xf32> to vector<256xf32>
    %broadcast_in_dim3A_199 = vector.shape_cast %reduce_min3A_198 : vector<256xf32> to vector<256x1xf32>
    %eq3A_200 = vector.broadcast %broadcast_in_dim3A_199 : vector<256x1xf32> to vector<256x2048xf32>
    %eq3A_201 = arith.cmpf oeq, %convert_element_type3A, %eq3A_200 : vector<256x2048xf32>
    %jit3A_202 = arith.constant 3.000000e+38 : f32
    %broadcast_in_dim3A_203 = vector.broadcast %jit3A_202 : f32 to vector<256x2048xf32>
    %select_n3A_204 = arith.select %eq3A_201, %broadcast_in_dim3A_203, %select_n3A_188 : vector<256x2048xi1>, vector<256x2048xf32>
    %reduce_min3A_205 = arith.constant dense<0x7F800000> : vector<256xf32>
    %reduce_min3A_206 = vector.multi_reduction <minimumf>, %select_n3A_204, %reduce_min3A_205 [1] : vector<256x2048xf32> to vector<256xf32>
    %broadcast_in_dim3A_207 = vector.shape_cast %reduce_min3A_206 : vector<256xf32> to vector<256x1xf32>
    %eq3A_208 = vector.broadcast %broadcast_in_dim3A_207 : vector<256x1xf32> to vector<256x2048xf32>
    %eq3A_209 = arith.cmpf oeq, %select_n3A_204, %eq3A_208 : vector<256x2048xf32>
    %jit3A_210 = arith.constant 2.048000e+03 : f32
    %broadcast_in_dim3A_211 = vector.broadcast %jit3A_210 : f32 to vector<256x2048xf32>
    %select_n3A_212 = arith.select %eq3A_209, %convert_element_type3A, %broadcast_in_dim3A_211 : vector<256x2048xi1>, vector<256x2048xf32>
    %reduce_min3A_213 = arith.constant dense<0x7F800000> : vector<256xf32>
    %reduce_min3A_214 = vector.multi_reduction <minimumf>, %select_n3A_212, %reduce_min3A_213 [1] : vector<256x2048xf32> to vector<256xf32>
    %broadcast_in_dim3A_215 = vector.shape_cast %reduce_min3A_214 : vector<256xf32> to vector<256x1xf32>
    %eq3A_216 = vector.broadcast %broadcast_in_dim3A_215 : vector<256x1xf32> to vector<256x2048xf32>
    %eq3A_217 = arith.cmpf oeq, %convert_element_type3A, %eq3A_216 : vector<256x2048xf32>
    %jit3A_218 = arith.constant 3.000000e+38 : f32
    %broadcast_in_dim3A_219 = vector.broadcast %jit3A_218 : f32 to vector<256x2048xf32>
    %select_n3A_220 = arith.select %eq3A_217, %broadcast_in_dim3A_219, %select_n3A_204 : vector<256x2048xi1>, vector<256x2048xf32>
    %reduce_min3A_221 = arith.constant dense<0x7F800000> : vector<256xf32>
    %reduce_min3A_222 = vector.multi_reduction <minimumf>, %select_n3A_220, %reduce_min3A_221 [1] : vector<256x2048xf32> to vector<256xf32>
    %broadcast_in_dim3A_223 = vector.shape_cast %reduce_min3A_222 : vector<256xf32> to vector<256x1xf32>
    %eq3A_224 = vector.broadcast %broadcast_in_dim3A_223 : vector<256x1xf32> to vector<256x2048xf32>
    %eq3A_225 = arith.cmpf oeq, %select_n3A_220, %eq3A_224 : vector<256x2048xf32>
    %jit3A_226 = arith.constant 2.048000e+03 : f32
    %broadcast_in_dim3A_227 = vector.broadcast %jit3A_226 : f32 to vector<256x2048xf32>
    %select_n3A_228 = arith.select %eq3A_225, %convert_element_type3A, %broadcast_in_dim3A_227 : vector<256x2048xi1>, vector<256x2048xf32>
    %reduce_min3A_229 = arith.constant dense<0x7F800000> : vector<256xf32>
    %reduce_min3A_230 = vector.multi_reduction <minimumf>, %select_n3A_228, %reduce_min3A_229 [1] : vector<256x2048xf32> to vector<256xf32>
    %broadcast_in_dim3A_231 = vector.shape_cast %reduce_min3A_230 : vector<256xf32> to vector<256x1xf32>
    %eq3A_232 = vector.broadcast %broadcast_in_dim3A_231 : vector<256x1xf32> to vector<256x2048xf32>
    %eq3A_233 = arith.cmpf oeq, %convert_element_type3A, %eq3A_232 : vector<256x2048xf32>
    %jit3A_234 = arith.constant 3.000000e+38 : f32
    %broadcast_in_dim3A_235 = vector.broadcast %jit3A_234 : f32 to vector<256x2048xf32>
    %select_n3A_236 = arith.select %eq3A_233, %broadcast_in_dim3A_235, %select_n3A_220 : vector<256x2048xi1>, vector<256x2048xf32>
    %reduce_min3A_237 = arith.constant dense<0x7F800000> : vector<256xf32>
    %reduce_min3A_238 = vector.multi_reduction <minimumf>, %select_n3A_236, %reduce_min3A_237 [1] : vector<256x2048xf32> to vector<256xf32>
    %broadcast_in_dim3A_239 = vector.shape_cast %reduce_min3A_238 : vector<256xf32> to vector<256x1xf32>
    %eq3A_240 = vector.broadcast %broadcast_in_dim3A_239 : vector<256x1xf32> to vector<256x2048xf32>
    %eq3A_241 = arith.cmpf oeq, %select_n3A_236, %eq3A_240 : vector<256x2048xf32>
    %jit3A_242 = arith.constant 2.048000e+03 : f32
    %broadcast_in_dim3A_243 = vector.broadcast %jit3A_242 : f32 to vector<256x2048xf32>
    %select_n3A_244 = arith.select %eq3A_241, %convert_element_type3A, %broadcast_in_dim3A_243 : vector<256x2048xi1>, vector<256x2048xf32>
    %reduce_min3A_245 = arith.constant dense<0x7F800000> : vector<256xf32>
    %reduce_min3A_246 = vector.multi_reduction <minimumf>, %select_n3A_244, %reduce_min3A_245 [1] : vector<256x2048xf32> to vector<256xf32>
    %broadcast_in_dim3A_247 = vector.shape_cast %reduce_min3A_246 : vector<256xf32> to vector<256x1xf32>
    %eq3A_248 = vector.broadcast %broadcast_in_dim3A_247 : vector<256x1xf32> to vector<256x2048xf32>
    %eq3A_249 = arith.cmpf oeq, %convert_element_type3A, %eq3A_248 : vector<256x2048xf32>
    %jit3A_250 = arith.constant 3.000000e+38 : f32
    %broadcast_in_dim3A_251 = vector.broadcast %jit3A_250 : f32 to vector<256x2048xf32>
    %select_n3A_252 = arith.select %eq3A_249, %broadcast_in_dim3A_251, %select_n3A_236 : vector<256x2048xi1>, vector<256x2048xf32>
    %reduce_min3A_253 = arith.constant dense<0x7F800000> : vector<256xf32>
    %reduce_min3A_254 = vector.multi_reduction <minimumf>, %select_n3A_252, %reduce_min3A_253 [1] : vector<256x2048xf32> to vector<256xf32>
    %broadcast_in_dim3A_255 = vector.shape_cast %reduce_min3A_254 : vector<256xf32> to vector<256x1xf32>
    %eq3A_256 = vector.broadcast %broadcast_in_dim3A_255 : vector<256x1xf32> to vector<256x2048xf32>
    %eq3A_257 = arith.cmpf oeq, %select_n3A_252, %eq3A_256 : vector<256x2048xf32>
    %jit3A_258 = arith.constant 2.048000e+03 : f32
    %broadcast_in_dim3A_259 = vector.broadcast %jit3A_258 : f32 to vector<256x2048xf32>
    %select_n3A_260 = arith.select %eq3A_257, %convert_element_type3A, %broadcast_in_dim3A_259 : vector<256x2048xi1>, vector<256x2048xf32>
    %reduce_min3A_261 = arith.constant dense<0x7F800000> : vector<256xf32>
    %reduce_min3A_262 = vector.multi_reduction <minimumf>, %select_n3A_260, %reduce_min3A_261 [1] : vector<256x2048xf32> to vector<256xf32>
    %broadcast_in_dim3A_263 = vector.shape_cast %reduce_min3A_262 : vector<256xf32> to vector<256x1xf32>
    %concatenate3A = tpu.concatenate %broadcast_in_dim3A_23, %broadcast_in_dim3A_39, %broadcast_in_dim3A_55, %broadcast_in_dim3A_71, %broadcast_in_dim3A_87, %broadcast_in_dim3A_103, %broadcast_in_dim3A_119, %broadcast_in_dim3A_135, %broadcast_in_dim3A_151, %broadcast_in_dim3A_167, %broadcast_in_dim3A_183, %broadcast_in_dim3A_199, %broadcast_in_dim3A_215, %broadcast_in_dim3A_231, %broadcast_in_dim3A_247, %broadcast_in_dim3A_263 in 1 : vector<256x1xf32>, vector<256x1xf32>, vector<256x1xf32>, vector<256x1xf32>, vector<256x1xf32>, vector<256x1xf32>, vector<256x1xf32>, vector<256x1xf32>, vector<256x1xf32>, vector<256x1xf32>, vector<256x1xf32>, vector<256x1xf32>, vector<256x1xf32>, vector<256x1xf32>, vector<256x1xf32>, vector<256x1xf32> -> vector<256x16xf32>
    %convert_element_type3A_264 = arith.fptosi %concatenate3A : vector<256x16xf32> to vector<256x16xi32>
    %mul3A = arith.constant 2048 : i32
    %mul3A_265 = arith.muli %arg0, %mul3A : i32
    %add3A_266 = vector.broadcast %mul3A_265 : i32 to vector<256x16xi32>
    %add3A_267 = arith.addi %convert_element_type3A_264, %add3A_266 : vector<256x16xi32>
    %swap3A = arith.constant 0 : index
    %swap3A_268 = arith.constant 0 : index
    %swap3A_269 = arith.constant 0 : index
    %swap3A_270 = vector.load %arg4[%swap3A, %swap3A_268, %swap3A_269] : memref<1x256x16xi32, #tpu.memory_space<vmem>>, vector<1x256x16xi32>
    %swap3A_271 = vector.shape_cast %swap3A_270 : vector<1x256x16xi32> to vector<256x16xi32>
    %swap3A_272 = vector.shape_cast %add3A_267 : vector<256x16xi32> to vector<1x256x16xi32>
    tpu.vector_store %arg4[%swap3A, %swap3A_268, %swap3A_269], %swap3A_272 {strides = array<i32>} : memref<1x256x16xi32, #tpu.memory_space<vmem>>, vector<1x256x16xi32>,
    return
  }
  func.func @transform_0(%arg0: i32, %arg1: i32) -> (i32, i32, i32) {
    %c0_i32 = arith.constant 0 : i32
    %c0_i32_0 = arith.constant 0 : i32
    return %arg0, %arg1, %c0_i32 : i32, i32, i32
  }
  func.func @transform_1(%arg0: i32, %arg1: i32) -> (i32, i32, i32) {
    %c0_i32 = arith.constant 0 : i32
    %c0_i32_0 = arith.constant 0 : i32
    %c0_i32_1 = arith.constant 0 : i32
    return %arg0, %c0_i32, %c0_i32_0 : i32, i32, i32
  }
  func.func @transform_2(%arg0: i32, %arg1: i32) -> (i32, i32, i32) {
    %c0_i32 = arith.constant 0 : i32
    %c0_i32_0 = arith.constant 0 : i32
    return %arg0, %arg1, %c0_i32 : i32, i32, i32
  }
}

module attributes {stable_mosaic.version = 14 : i64} {
  func.func @_proj_body(%arg0: i32, %arg1: memref<1x2048x256xf32, #tpu.memory_space<vmem>>, %arg2: memref<1x2048x3xf32, #tpu.memory_space<vmem>>, %arg3: memref<2x256xf32, #tpu.memory_space<vmem>>, %arg4: memref<256x256xf32, #tpu.memory_space<vmem>>, %arg5: memref<256x256xf32, #tpu.memory_space<vmem>>, %arg6: memref<256x256xf32, #tpu.memory_space<vmem>>, %arg7: memref<256x256xf32, #tpu.memory_space<vmem>>, %arg8: memref<256x256xf32, #tpu.memory_space<vmem>>, %arg9: memref<256x256xf32, #tpu.memory_space<vmem>>, %arg10: memref<1x256xf32, #tpu.memory_space<vmem>>, %arg11: memref<256x256xf32, #tpu.memory_space<vmem>>, %arg12: memref<33x256xf32, #tpu.memory_space<vmem>>, %arg13: memref<1x256xf32, #tpu.memory_space<vmem>>, %arg14: memref<1x2048x256xf32, #tpu.memory_space<vmem>>, %arg15: memref<1x2048x384xf32, #tpu.memory_space<vmem>>, %arg16: memref<33x512xf32, #tpu.memory_space<vmem>>, %arg17: memref<2x1x256xf32, #tpu.memory_space<vmem>>, %arg18: memref<2x1x256xf32, #tpu.memory_space<vmem>>, %arg19: memref<2x1x256xf32, #tpu.memory_space<vmem>>) attributes {dimension_semantics = [#tpu.dimension_semantics<arbitrary>], iteration_bounds = array<i64: 2>, scalar_prefetch = 0 : i64, scratch_operands = 0 : i64, tpu.core_type = #tpu.core_type<tc>, window_params = [{transform_indices = @transform_0, window_bounds = array<i64: 1, 2048, 256>}, {transform_indices = @transform_1, window_bounds = array<i64: 1, 2048, 3>}, {pipeline_mode = #tpu.pipeline_mode<synchronous>, transform_indices = @transform_2, window_bounds = array<i64: 2, 256>}, {pipeline_mode = #tpu.pipeline_mode<synchronous>, transform_indices = @transform_3, window_bounds = array<i64: 256, 256>}, {pipeline_mode = #tpu.pipeline_mode<synchronous>, transform_indices = @transform_4, window_bounds = array<i64: 256, 256>}, {pipeline_mode = #tpu.pipeline_mode<synchronous>, transform_indices = @transform_5, window_bounds = array<i64: 256, 256>}, {pipeline_mode = #tpu.pipeline_mode<synchronous>, transform_indices = @transform_6, window_bounds = array<i64: 256, 256>}, {pipeline_mode = #tpu.pipeline_mode<synchronous>, transform_indices = @transform_7, window_bounds = array<i64: 256, 256>}, {pipeline_mode = #tpu.pipeline_mode<synchronous>, transform_indices = @transform_8, window_bounds = array<i64: 256, 256>}, {pipeline_mode = #tpu.pipeline_mode<synchronous>, transform_indices = @transform_9, window_bounds = array<i64: 1, 256>}, {pipeline_mode = #tpu.pipeline_mode<synchronous>, transform_indices = @transform_10, window_bounds = array<i64: 256, 256>}, {pipeline_mode = #tpu.pipeline_mode<synchronous>, transform_indices = @transform_11, window_bounds = array<i64: 33, 256>}, {pipeline_mode = #tpu.pipeline_mode<synchronous>, transform_indices = @transform_12, window_bounds = array<i64: 1, 256>}, {transform_indices = @transform_13, window_bounds = array<i64: 1, 2048, 256>}, {transform_indices = @transform_14, window_bounds = array<i64: 1, 2048, 384>}, {pipeline_mode = #tpu.pipeline_mode<synchronous>, transform_indices = @transform_15, window_bounds = array<i64: 33, 512>}, {pipeline_mode = #tpu.pipeline_mode<synchronous>, transform_indices = @transform_16, window_bounds = array<i64: 2, 1, 256>}, {pipeline_mode = #tpu.pipeline_mode<synchronous>, transform_indices = @transform_17, window_bounds = array<i64: 2, 1, 256>}, {pipeline_mode = #tpu.pipeline_mode<synchronous>, transform_indices = @transform_18, window_bounds = array<i64: 2, 1, 256>}]} {
    %get3A = arith.constant 0 : index
    %get3A_0 = arith.constant 0 : index
    %get3A_1 = arith.constant 0 : index
    %get3A_2 = vector.load %arg1[%get3A, %get3A_0, %get3A_1] : memref<1x2048x256xf32, #tpu.memory_space<vmem>>, vector<1x2048x256xf32>
    %get3A_3 = vector.shape_cast %get3A_2 : vector<1x2048x256xf32> to vector<2048x256xf32>
    %get3A_4 = arith.constant 0 : index
    %get3A_5 = arith.constant 0 : index
    %get3A_6 = vector.load %arg9[%get3A_4, %get3A_5] : memref<256x256xf32, #tpu.memory_space<vmem>>, vector<256x256xf32>
    %get3A_7 = arith.constant 0 : index
    %get3A_8 = arith.constant 0 : index
    %get3A_9 = vector.load %arg5[%get3A_7, %get3A_8] : memref<256x256xf32, #tpu.memory_space<vmem>>, vector<256x256xf32>
    %dot_general3A = arith.constant dense<0.000000e+00> : vector<256x256xf32>
    %dot_general3A_10 = tpu.matmul %get3A_9, %get3A_6, %dot_general3A {dimension_numbers = #tpu.dot_dimension_numbers<[1], [0], [0], [1], [0, 0, 1, 1], [], []>, transpose_lhs_hint = false} : vector<256x256xf32>, vector<256x256xf32>, vector<256x256xf32> -> vector<256x256xf32>
    %dot_general3A_11 = arith.constant dense<0.000000e+00> : vector<2048x256xf32>
    %dot_general3A_12 = tpu.matmul %get3A_3, %dot_general3A_10, %dot_general3A_11 {dimension_numbers = #tpu.dot_dimension_numbers<[1], [0], [0], [1], [0, 0, 1, 1], [], []>, transpose_lhs_hint = false} : vector<2048x256xf32>, vector<256x256xf32>, vector<2048x256xf32> -> vector<2048x256xf32>
    %swap3A = arith.constant 0 : index
    %swap3A_13 = arith.constant 0 : index
    %swap3A_14 = arith.constant 0 : index
    %swap3A_15 = vector.load %arg14[%swap3A, %swap3A_13, %swap3A_14] : memref<1x2048x256xf32, #tpu.memory_space<vmem>>, vector<1x2048x256xf32>
    %swap3A_16 = vector.shape_cast %swap3A_15 : vector<1x2048x256xf32> to vector<2048x256xf32>
    %swap3A_17 = vector.shape_cast %dot_general3A_12 : vector<2048x256xf32> to vector<1x2048x256xf32>
    tpu.vector_store %arg14[%swap3A, %swap3A_13, %swap3A_14], %swap3A_17 {strides = array<i32>} : memref<1x2048x256xf32, #tpu.memory_space<vmem>>, vector<1x2048x256xf32>,
    %get3A_18 = arith.constant 0 : index
    %get3A_19 = arith.constant 0 : index
    %get3A_20 = vector.load %arg6[%get3A_18, %get3A_19] : memref<256x256xf32, #tpu.memory_space<vmem>>, vector<256x256xf32>
    %dot_general3A_21 = arith.constant dense<0.000000e+00> : vector<2048x256xf32>
    %dot_general3A_22 = tpu.matmul %get3A_3, %get3A_20, %dot_general3A_21 {dimension_numbers = #tpu.dot_dimension_numbers<[1], [0], [0], [1], [0, 0, 1, 1], [], []>, transpose_lhs_hint = false} : vector<2048x256xf32>, vector<256x256xf32>, vector<2048x256xf32> -> vector<2048x256xf32>
    %get3A_23 = arith.constant 0 : index
    %get3A_24 = arith.constant 0 : index
    %get3A_25 = arith.constant 0 : index
    %get3A_26 = vector.load %arg2[%get3A_23, %get3A_24, %get3A_25] : memref<1x2048x3xf32, #tpu.memory_space<vmem>>, vector<1x2048x3xf32>
    %get3A_27 = vector.shape_cast %get3A_26 : vector<1x2048x3xf32> to vector<2048x3xf32>
    %broadcast_in_dim3A = arith.constant 0.000000e+00 : f32
    %broadcast_in_dim3A_28 = vector.broadcast %broadcast_in_dim3A : f32 to vector<2048x125xf32>
    %concatenate3A = tpu.concatenate %dot_general3A_22, %get3A_27, %broadcast_in_dim3A_28 in 1 : vector<2048x256xf32>, vector<2048x3xf32>, vector<2048x125xf32> -> vector<2048x384xf32>
    %swap3A_29 = arith.constant 0 : index
    %swap3A_30 = arith.constant 0 : index
    %swap3A_31 = arith.constant 0 : index
    %swap3A_32 = vector.load %arg15[%swap3A_29, %swap3A_30, %swap3A_31] : memref<1x2048x384xf32, #tpu.memory_space<vmem>>, vector<1x2048x384xf32>
    %swap3A_33 = vector.shape_cast %swap3A_32 : vector<1x2048x384xf32> to vector<2048x384xf32>
    %swap3A_34 = vector.shape_cast %concatenate3A : vector<2048x384xf32> to vector<1x2048x384xf32>
    tpu.vector_store %arg15[%swap3A_29, %swap3A_30, %swap3A_31], %swap3A_34 {strides = array<i32>} : memref<1x2048x384xf32, #tpu.memory_space<vmem>>, vector<1x2048x384xf32>,
    %get3A_35 = arith.constant 0 : index
    %get3A_36 = arith.constant 0 : index
    %get3A_37 = vector.load %arg12[%get3A_35, %get3A_36] : memref<33x256xf32, #tpu.memory_space<vmem>>, vector<33x256xf32>
    %dot_general3A_38 = arith.constant dense<0.000000e+00> : vector<33x256xf32>
    %dot_general3A_39 = tpu.matmul %get3A_37, %get3A_6, %dot_general3A_38 {dimension_numbers = #tpu.dot_dimension_numbers<[1], [0], [0], [1], [0, 0, 1, 1], [], []>, transpose_lhs_hint = false} : vector<33x256xf32>, vector<256x256xf32>, vector<33x256xf32> -> vector<33x256xf32>
    %get3A_40 = arith.constant 0 : index
    %get3A_41 = arith.constant 0 : index
    %get3A_42 = vector.load %arg12[%get3A_40, %get3A_41] : memref<33x256xf32, #tpu.memory_space<vmem>>, vector<33x256xf32>
    %concatenate3A_43 = tpu.concatenate %dot_general3A_39, %get3A_42 in 1 : vector<33x256xf32>, vector<33x256xf32> -> vector<33x512xf32>
    %swap3A_44 = arith.constant 0 : index
    %swap3A_45 = arith.constant 0 : index
    %swap3A_46 = vector.load %arg16[%swap3A_44, %swap3A_45] : memref<33x512xf32, #tpu.memory_space<vmem>>, vector<33x512xf32>
    tpu.vector_store %arg16[%swap3A_44, %swap3A_45], %concatenate3A_43 {strides = array<i32>} : memref<33x512xf32, #tpu.memory_space<vmem>>, vector<33x512xf32>,
    %get3A_47 = arith.constant 0 : index
    %get3A_48 = arith.constant 0 : index
    %get3A_49 = vector.load %arg3[%get3A_47, %get3A_48] : memref<2x256xf32, #tpu.memory_space<vmem>>, vector<2x256xf32>
    %get3A_50 = arith.constant 0 : index
    %get3A_51 = arith.constant 0 : index
    %get3A_52 = vector.load %arg4[%get3A_50, %get3A_51] : memref<256x256xf32, #tpu.memory_space<vmem>>, vector<256x256xf32>
    %dot_general3A_53 = arith.constant dense<0.000000e+00> : vector<2x256xf32>
    %dot_general3A_54 = tpu.matmul %get3A_49, %get3A_52, %dot_general3A_53 {dimension_numbers = #tpu.dot_dimension_numbers<[1], [0], [0], [1], [0, 0, 1, 1], [], []>, transpose_lhs_hint = false} : vector<2x256xf32>, vector<256x256xf32>, vector<2x256xf32> -> vector<2x256xf32>
    %dot_general3A_55 = arith.constant dense<0.000000e+00> : vector<2x256xf32>
    %dot_general3A_56 = tpu.matmul %dot_general3A_54, %get3A_6, %dot_general3A_55 {dimension_numbers = #tpu.dot_dimension_numbers<[1], [0], [0], [1], [0, 0, 1, 1], [], []>, transpose_lhs_hint = false} : vector<2x256xf32>, vector<256x256xf32>, vector<2x256xf32> -> vector<2x256xf32>
    %get3A_57 = arith.constant 0 : index
    %get3A_58 = arith.constant 0 : index
    %get3A_59 = vector.load %arg13[%get3A_57, %get3A_58] : memref<1x256xf32, #tpu.memory_space<vmem>>, vector<1x256xf32>
    %dot_general3A_60 = arith.constant dense<0.000000e+00> : vector<1x256xf32>
    %dot_general3A_61 = tpu.matmul %get3A_59, %get3A_6, %dot_general3A_60 {dimension_numbers = #tpu.dot_dimension_numbers<[1], [0], [0], [1], [0, 0, 1, 1], [], []>, transpose_lhs_hint = false} : vector<1x256xf32>, vector<256x256xf32>, vector<1x256xf32> -> vector<1x256xf32>
    %add3A = vector.broadcast %dot_general3A_61 : vector<1x256xf32> to vector<2x256xf32>
    %add3A_62 = arith.addf %dot_general3A_56, %add3A : vector<2x256xf32>
    %get3A_63 = arith.constant 0 : index
    %get3A_64 = arith.constant 0 : index
    %get3A_65 = vector.load %arg10[%get3A_63, %get3A_64] : memref<1x256xf32, #tpu.memory_space<vmem>>, vector<1x256xf32>
    %add3A_66 = vector.broadcast %get3A_65 : vector<1x256xf32> to vector<2x256xf32>
    %add3A_67 = arith.addf %add3A_62, %add3A_66 : vector<2x256xf32>
    %swap3A_68 = arith.constant 0 : index
    %swap3A_69 = arith.constant 0 : index
    %swap3A_70 = arith.constant 0 : index
    %swap3A_71 = vector.load %arg17[%swap3A_68, %swap3A_69, %swap3A_70] : memref<2x1x256xf32, #tpu.memory_space<vmem>>, vector<2x1x256xf32>
    %swap3A_72 = vector.shape_cast %swap3A_71 : vector<2x1x256xf32> to vector<2x256xf32>
    %swap3A_73 = vector.shape_cast %add3A_67 : vector<2x256xf32> to vector<2x1x256xf32>
    tpu.vector_store %arg17[%swap3A_68, %swap3A_69, %swap3A_70], %swap3A_73 {strides = array<i32>} : memref<2x1x256xf32, #tpu.memory_space<vmem>>, vector<2x1x256xf32>,
    %get3A_74 = arith.constant 0 : index
    %get3A_75 = arith.constant 0 : index
    %get3A_76 = vector.load %arg7[%get3A_74, %get3A_75] : memref<256x256xf32, #tpu.memory_space<vmem>>, vector<256x256xf32>
    %dot_general3A_77 = arith.constant dense<0.000000e+00> : vector<2x256xf32>
    %dot_general3A_78 = tpu.matmul %get3A_49, %get3A_76, %dot_general3A_77 {dimension_numbers = #tpu.dot_dimension_numbers<[1], [0], [0], [1], [0, 0, 1, 1], [], []>, transpose_lhs_hint = false} : vector<2x256xf32>, vector<256x256xf32>, vector<2x256xf32> -> vector<2x256xf32>
    %sub3A = arith.subf %dot_general3A_54, %dot_general3A_78 : vector<2x256xf32>
    %dot_general3A_79 = arith.constant dense<0.000000e+00> : vector<2x256xf32>
    %dot_general3A_80 = tpu.matmul %sub3A, %get3A_6, %dot_general3A_79 {dimension_numbers = #tpu.dot_dimension_numbers<[1], [0], [0], [1], [0, 0, 1, 1], [], []>, transpose_lhs_hint = false} : vector<2x256xf32>, vector<256x256xf32>, vector<2x256xf32> -> vector<2x256xf32>
    %get3A_81 = arith.constant 0 : index
    %get3A_82 = arith.constant 0 : index
    %get3A_83 = vector.load %arg10[%get3A_81, %get3A_82] : memref<1x256xf32, #tpu.memory_space<vmem>>, vector<1x256xf32>
    %add3A_84 = vector.broadcast %get3A_83 : vector<1x256xf32> to vector<2x256xf32>
    %add3A_85 = arith.addf %dot_general3A_80, %add3A_84 : vector<2x256xf32>
    %max3A = arith.constant 0.000000e+00 : f32
    %max3A_86 = vector.broadcast %max3A : f32 to vector<2x256xf32>
    %max3A_87 = arith.maximumf %add3A_85, %max3A_86 : vector<2x256xf32>
    %get3A_88 = arith.constant 0 : index
    %get3A_89 = arith.constant 0 : index
    %get3A_90 = vector.load %arg11[%get3A_88, %get3A_89] : memref<256x256xf32, #tpu.memory_space<vmem>>, vector<256x256xf32>
    %dot_general3A_91 = arith.constant dense<0.000000e+00> : vector<2x256xf32>
    %dot_general3A_92 = tpu.matmul %max3A_87, %get3A_90, %dot_general3A_91 {dimension_numbers = #tpu.dot_dimension_numbers<[1], [0], [0], [1], [0, 0, 1, 1], [], []>, transpose_lhs_hint = false} : vector<2x256xf32>, vector<256x256xf32>, vector<2x256xf32> -> vector<2x256xf32>
    %swap3A_93 = arith.constant 0 : index
    %swap3A_94 = arith.constant 0 : index
    %swap3A_95 = arith.constant 0 : index
    %swap3A_96 = vector.load %arg18[%swap3A_93, %swap3A_94, %swap3A_95] : memref<2x1x256xf32, #tpu.memory_space<vmem>>, vector<2x1x256xf32>
    %swap3A_97 = vector.shape_cast %swap3A_96 : vector<2x1x256xf32> to vector<2x256xf32>
    %swap3A_98 = vector.shape_cast %dot_general3A_92 : vector<2x256xf32> to vector<2x1x256xf32>
    tpu.vector_store %arg18[%swap3A_93, %swap3A_94, %swap3A_95], %swap3A_98 {strides = array<i32>} : memref<2x1x256xf32, #tpu.memory_space<vmem>>, vector<2x1x256xf32>,
    %get3A_99 = arith.constant 0 : index
    %get3A_100 = arith.constant 0 : index
    %get3A_101 = vector.load %arg8[%get3A_99, %get3A_100] : memref<256x256xf32, #tpu.memory_space<vmem>>, vector<256x256xf32>
    %dot_general3A_102 = arith.constant dense<0.000000e+00> : vector<2x256xf32>
    %dot_general3A_103 = tpu.matmul %get3A_49, %get3A_101, %dot_general3A_102 {dimension_numbers = #tpu.dot_dimension_numbers<[1], [0], [0], [1], [0, 0, 1, 1], [], []>, transpose_lhs_hint = false} : vector<2x256xf32>, vector<256x256xf32>, vector<2x256xf32> -> vector<2x256xf32>
    %swap3A_104 = arith.constant 0 : index
    %swap3A_105 = arith.constant 0 : index
    %swap3A_106 = arith.constant 0 : index
    %swap3A_107 = vector.load %arg19[%swap3A_104, %swap3A_105, %swap3A_106] : memref<2x1x256xf32, #tpu.memory_space<vmem>>, vector<2x1x256xf32>
    %swap3A_108 = vector.shape_cast %swap3A_107 : vector<2x1x256xf32> to vector<2x256xf32>
    %swap3A_109 = vector.shape_cast %dot_general3A_103 : vector<2x256xf32> to vector<2x1x256xf32>
    tpu.vector_store %arg19[%swap3A_104, %swap3A_105, %swap3A_106], %swap3A_109 {strides = array<i32>} : memref<2x1x256xf32, #tpu.memory_space<vmem>>, vector<2x1x256xf32>,
    return
  }
  func.func @transform_0(%arg0: i32) -> (i32, i32, i32) {
    %c0_i32 = arith.constant 0 : i32
    %c0_i32_0 = arith.constant 0 : i32
    %c0_i32_1 = arith.constant 0 : i32
    return %arg0, %c0_i32, %c0_i32_0 : i32, i32, i32
  }
  func.func @transform_1(%arg0: i32) -> (i32, i32, i32) {
    %c0_i32 = arith.constant 0 : i32
    %c0_i32_0 = arith.constant 0 : i32
    %c0_i32_1 = arith.constant 0 : i32
    return %arg0, %c0_i32, %c0_i32_0 : i32, i32, i32
  }
  func.func @transform_2(%arg0: i32) -> (i32, i32) {
    %c0_i32 = arith.constant 0 : i32
    %c0_i32_0 = arith.constant 0 : i32
    %c0_i32_1 = arith.constant 0 : i32
    return %c0_i32, %c0_i32_0 : i32, i32
  }
  func.func @transform_3(%arg0: i32) -> (i32, i32) {
    %c0_i32 = arith.constant 0 : i32
    %c0_i32_0 = arith.constant 0 : i32
    %c0_i32_1 = arith.constant 0 : i32
    return %c0_i32, %c0_i32_0 : i32, i32
  }
  func.func @transform_4(%arg0: i32) -> (i32, i32) {
    %c0_i32 = arith.constant 0 : i32
    %c0_i32_0 = arith.constant 0 : i32
    %c0_i32_1 = arith.constant 0 : i32
    return %c0_i32, %c0_i32_0 : i32, i32
  }
  func.func @transform_5(%arg0: i32) -> (i32, i32) {
    %c0_i32 = arith.constant 0 : i32
    %c0_i32_0 = arith.constant 0 : i32
    %c0_i32_1 = arith.constant 0 : i32
    return %c0_i32, %c0_i32_0 : i32, i32
  }
  func.func @transform_6(%arg0: i32) -> (i32, i32) {
    %c0_i32 = arith.constant 0 : i32
    %c0_i32_0 = arith.constant 0 : i32
    %c0_i32_1 = arith.constant 0 : i32
    return %c0_i32, %c0_i32_0 : i32, i32
  }
  func.func @transform_7(%arg0: i32) -> (i32, i32) {
    %c0_i32 = arith.constant 0 : i32
    %c0_i32_0 = arith.constant 0 : i32
    %c0_i32_1 = arith.constant 0 : i32
    return %c0_i32, %c0_i32_0 : i32, i32
  }
  func.func @transform_8(%arg0: i32) -> (i32, i32) {
    %c0_i32 = arith.constant 0 : i32
    %c0_i32_0 = arith.constant 0 : i32
    %c0_i32_1 = arith.constant 0 : i32
    return %c0_i32, %c0_i32_0 : i32, i32
  }
  func.func @transform_9(%arg0: i32) -> (i32, i32) {
    %c0_i32 = arith.constant 0 : i32
    %c0_i32_0 = arith.constant 0 : i32
    %c0_i32_1 = arith.constant 0 : i32
    return %c0_i32, %c0_i32_0 : i32, i32
  }
  func.func @transform_10(%arg0: i32) -> (i32, i32) {
    %c0_i32 = arith.constant 0 : i32
    %c0_i32_0 = arith.constant 0 : i32
    %c0_i32_1 = arith.constant 0 : i32
    return %c0_i32, %c0_i32_0 : i32, i32
  }
  func.func @transform_11(%arg0: i32) -> (i32, i32) {
    %c0_i32 = arith.constant 0 : i32
    %c0_i32_0 = arith.constant 0 : i32
    %c0_i32_1 = arith.constant 0 : i32
    return %c0_i32, %c0_i32_0 : i32, i32
  }
  func.func @transform_12(%arg0: i32) -> (i32, i32) {
    %c0_i32 = arith.constant 0 : i32
    %c0_i32_0 = arith.constant 0 : i32
    %c0_i32_1 = arith.constant 0 : i32
    return %c0_i32, %c0_i32_0 : i32, i32
  }
  func.func @transform_13(%arg0: i32) -> (i32, i32, i32) {
    %c0_i32 = arith.constant 0 : i32
    %c0_i32_0 = arith.constant 0 : i32
    %c0_i32_1 = arith.constant 0 : i32
    return %arg0, %c0_i32, %c0_i32_0 : i32, i32, i32
  }
  func.func @transform_14(%arg0: i32) -> (i32, i32, i32) {
    %c0_i32 = arith.constant 0 : i32
    %c0_i32_0 = arith.constant 0 : i32
    %c0_i32_1 = arith.constant 0 : i32
    return %arg0, %c0_i32, %c0_i32_0 : i32, i32, i32
  }
  func.func @transform_15(%arg0: i32) -> (i32, i32) {
    %c0_i32 = arith.constant 0 : i32
    %c0_i32_0 = arith.constant 0 : i32
    %c0_i32_1 = arith.constant 0 : i32
    return %c0_i32, %c0_i32_0 : i32, i32
  }
  func.func @transform_16(%arg0: i32) -> (i32, i32, i32) {
    %c0_i32 = arith.constant 0 : i32
    %c0_i32_0 = arith.constant 0 : i32
    %c0_i32_1 = arith.constant 0 : i32
    %c0_i32_2 = arith.constant 0 : i32
    return %c0_i32, %c0_i32_0, %c0_i32_1 : i32, i32, i32
  }
  func.func @transform_17(%arg0: i32) -> (i32, i32, i32) {
    %c0_i32 = arith.constant 0 : i32
    %c0_i32_0 = arith.constant 0 : i32
    %c0_i32_1 = arith.constant 0 : i32
    %c0_i32_2 = arith.constant 0 : i32
    return %c0_i32, %c0_i32_0, %c0_i32_1 : i32, i32, i32
  }
  func.func @transform_18(%arg0: i32) -> (i32, i32, i32) {
    %c0_i32 = arith.constant 0 : i32
    %c0_i32_0 = arith.constant 0 : i32
    %c0_i32_1 = arith.constant 0 : i32
    %c0_i32_2 = arith.constant 0 : i32
    return %c0_i32, %c0_i32_0, %c0_i32_1 : i32, i32, i32
  }
}

module attributes {stable_mosaic.version = 14 : i64} {
  func.func @_attn_body(%arg0: i32, %arg1: memref<2048x256xf32, #tpu.memory_space<vmem>>, %arg2: memref<2048x384xf32, #tpu.memory_space<vmem>>, %arg3: memref<2048x2xf32, #tpu.memory_space<vmem>>, %arg4: memref<1x1x256xf32, #tpu.memory_space<vmem>>, %arg5: memref<1x1x256xf32, #tpu.memory_space<vmem>>, %arg6: memref<1x1x256xf32, #tpu.memory_space<vmem>>, %arg7: memref<33x512xf32, #tpu.memory_space<vmem>>, %arg8: memref<256x256xf32, #tpu.memory_space<vmem>>, %arg9: memref<1x256xf32, #tpu.memory_space<vmem>>, %arg10: memref<256x128xf32, #tpu.memory_space<vmem>>, %arg11: memref<1x128xf32, #tpu.memory_space<vmem>>, %arg12: memref<5x256x128xf32, #tpu.memory_space<vmem>>, %arg13: memref<5x128xf32, #tpu.memory_space<vmem>>, %arg14: memref<5x128x128xf32, #tpu.memory_space<vmem>>, %arg15: memref<5x128xf32, #tpu.memory_space<vmem>>, %arg16: memref<5x128x128xf32, #tpu.memory_space<vmem>>, %arg17: memref<5x128xf32, #tpu.memory_space<vmem>>, %arg18: memref<128x3xf32, #tpu.memory_space<vmem>>, %arg19: memref<1x3xf32, #tpu.memory_space<vmem>>, %arg20: memref<128x3xf32, #tpu.memory_space<vmem>>) attributes {dimension_semantics = [#tpu.dimension_semantics<arbitrary>], iteration_bounds = array<i64: 32>, scalar_prefetch = 0 : i64, scratch_operands = 0 : i64, tpu.core_type = #tpu.core_type<tc>, window_params = [{transform_indices = @transform_0, window_bounds = array<i64: 2048, 256>}, {transform_indices = @transform_1, window_bounds = array<i64: 2048, 384>}, {transform_indices = @transform_2, window_bounds = array<i64: 2048, 2>}, {transform_indices = @transform_3, window_bounds = array<i64: 1, 1, 256>}, {transform_indices = @transform_4, window_bounds = array<i64: 1, 1, 256>}, {transform_indices = @transform_5, window_bounds = array<i64: 1, 1, 256>}, {pipeline_mode = #tpu.pipeline_mode<synchronous>, transform_indices = @transform_6, window_bounds = array<i64: 33, 512>}, {pipeline_mode = #tpu.pipeline_mode<synchronous>, transform_indices = @transform_7, window_bounds = array<i64: 256, 256>}, {pipeline_mode = #tpu.pipeline_mode<synchronous>, transform_indices = @transform_8, window_bounds = array<i64: 1, 256>}, {pipeline_mode = #tpu.pipeline_mode<synchronous>, transform_indices = @transform_9, window_bounds = array<i64: 256, 128>}, {pipeline_mode = #tpu.pipeline_mode<synchronous>, transform_indices = @transform_10, window_bounds = array<i64: 1, 128>}, {pipeline_mode = #tpu.pipeline_mode<synchronous>, transform_indices = @transform_11, window_bounds = array<i64: 5, 256, 128>}, {pipeline_mode = #tpu.pipeline_mode<synchronous>, transform_indices = @transform_12, window_bounds = array<i64: 5, 128>}, {pipeline_mode = #tpu.pipeline_mode<synchronous>, transform_indices = @transform_13, window_bounds = array<i64: 5, 128, 128>}, {pipeline_mode = #tpu.pipeline_mode<synchronous>, transform_indices = @transform_14, window_bounds = array<i64: 5, 128>}, {pipeline_mode = #tpu.pipeline_mode<synchronous>, transform_indices = @transform_15, window_bounds = array<i64: 5, 128, 128>}, {pipeline_mode = #tpu.pipeline_mode<synchronous>, transform_indices = @transform_16, window_bounds = array<i64: 5, 128>}, {pipeline_mode = #tpu.pipeline_mode<synchronous>, transform_indices = @transform_17, window_bounds = array<i64: 128, 3>}, {pipeline_mode = #tpu.pipeline_mode<synchronous>, transform_indices = @transform_18, window_bounds = array<i64: 1, 3>}, {transform_indices = @transform_19, window_bounds = array<i64: 128, 3>}]} {
    %get3A = arith.constant 0 : index
    %get3A_0 = arith.constant 0 : index
    %get3A_1 = vector.load %arg2[%get3A, %get3A_0] : memref<2048x384xf32, #tpu.memory_space<vmem>>, vector<2048x384xf32>
    %get3A_2 = arith.constant 0 : index
    %get3A_3 = arith.constant 0 : index
    %get3A_4 = vector.load %arg3[%get3A_2, %get3A_3] : memref<2048x2xf32, #tpu.memory_space<vmem>>, vector<2048x2xf32>
    %slice3A = vector.extract_strided_slice %get3A_4 {offsets = [0, 0], sizes = [2048, 1], strides = [1, 1]} : vector<2048x2xf32> to vector<2048x1xf32>
    %slice3A_5 = vector.extract_strided_slice %get3A_1 {offsets = [0, 256], sizes = [2048, 1], strides = [1, 1]} : vector<2048x384xf32> to vector<2048x1xf32>
    %sub3A = arith.subf %slice3A, %slice3A_5 : vector<2048x1xf32>
    %slice3A_6 = vector.extract_strided_slice %get3A_4 {offsets = [0, 1], sizes = [2048, 1], strides = [1, 1]} : vector<2048x2xf32> to vector<2048x1xf32>
    %slice3A_7 = vector.extract_strided_slice %get3A_1 {offsets = [0, 257], sizes = [2048, 1], strides = [1, 1]} : vector<2048x384xf32> to vector<2048x1xf32>
    %sub3A_8 = arith.subf %slice3A_6, %slice3A_7 : vector<2048x1xf32>
    %slice3A_9 = vector.extract_strided_slice %get3A_1 {offsets = [0, 258], sizes = [2048, 1], strides = [1, 1]} : vector<2048x384xf32> to vector<2048x1xf32>
    %concatenate3A = tpu.concatenate %sub3A, %sub3A_8, %slice3A_9 in 1 : vector<2048x1xf32>, vector<2048x1xf32>, vector<2048x1xf32> -> vector<2048x3xf32>
    %mul3A = arith.constant 1.000000e+00 : f32
    %mul3A_10 = vector.broadcast %mul3A : f32 to vector<2048x3xf32>
    %mul3A_11 = arith.mulf %concatenate3A, %mul3A_10 : vector<2048x3xf32>
    %sin3A = math.sin %mul3A_11 : vector<2048x3xf32>
    %cos3A = math.cos %mul3A_11 : vector<2048x3xf32>
    %mul3A_12 = arith.constant 8.750000e+00 : f32
    %mul3A_13 = vector.broadcast %mul3A_12 : f32 to vector<2048x3xf32>
    %mul3A_14 = arith.mulf %concatenate3A, %mul3A_13 : vector<2048x3xf32>
    %sin3A_15 = math.sin %mul3A_14 : vector<2048x3xf32>
    %cos3A_16 = math.cos %mul3A_14 : vector<2048x3xf32>
    %mul3A_17 = arith.constant 1.650000e+01 : f32
    %mul3A_18 = vector.broadcast %mul3A_17 : f32 to vector<2048x3xf32>
    %mul3A_19 = arith.mulf %concatenate3A, %mul3A_18 : vector<2048x3xf32>
    %sin3A_20 = math.sin %mul3A_19 : vector<2048x3xf32>
    %cos3A_21 = math.cos %mul3A_19 : vector<2048x3xf32>
    %mul3A_22 = arith.constant 2.425000e+01 : f32
    %mul3A_23 = vector.broadcast %mul3A_22 : f32 to vector<2048x3xf32>
    %mul3A_24 = arith.mulf %concatenate3A, %mul3A_23 : vector<2048x3xf32>
    %sin3A_25 = math.sin %mul3A_24 : vector<2048x3xf32>
    %cos3A_26 = math.cos %mul3A_24 : vector<2048x3xf32>
    %mul3A_27 = arith.constant 3.200000e+01 : f32
    %mul3A_28 = vector.broadcast %mul3A_27 : f32 to vector<2048x3xf32>
    %mul3A_29 = arith.mulf %concatenate3A, %mul3A_28 : vector<2048x3xf32>
    %sin3A_30 = math.sin %mul3A_29 : vector<2048x3xf32>
    %cos3A_31 = math.cos %mul3A_29 : vector<2048x3xf32>
    %concatenate3A_32 = tpu.concatenate %concatenate3A, %sin3A, %cos3A, %sin3A_15, %cos3A_16, %sin3A_20, %cos3A_21, %sin3A_25, %cos3A_26, %sin3A_30, %cos3A_31 in 1 : vector<2048x3xf32>, vector<2048x3xf32>, vector<2048x3xf32>, vector<2048x3xf32>, vector<2048x3xf32>, vector<2048x3xf32>, vector<2048x3xf32>, vector<2048x3xf32>, vector<2048x3xf32>, vector<2048x3xf32>, vector<2048x3xf32> -> vector<2048x33xf32>
    %get3A_33 = arith.constant 0 : index
    %get3A_34 = arith.constant 0 : index
    %get3A_35 = vector.load %arg7[%get3A_33, %get3A_34] : memref<33x512xf32, #tpu.memory_space<vmem>>, vector<33x512xf32>
    %dot_general3A = arith.constant dense<0.000000e+00> : vector<2048x512xf32>
    %dot_general3A_36 = tpu.matmul %concatenate3A_32, %get3A_35, %dot_general3A {dimension_numbers = #tpu.dot_dimension_numbers<[1], [0], [0], [1], [0, 0, 1, 1], [], []>, transpose_lhs_hint = false} : vector<2048x33xf32>, vector<33x512xf32>, vector<2048x512xf32> -> vector<2048x512xf32>
    %get3A_37 = arith.constant 0 : index
    %get3A_38 = arith.constant 0 : index
    %get3A_39 = arith.constant 0 : index
    %get3A_40 = vector.load %arg4[%get3A_37, %get3A_38, %get3A_39] : memref<1x1x256xf32, #tpu.memory_space<vmem>>, vector<1x1x256xf32>
    %get3A_41 = vector.shape_cast %get3A_40 : vector<1x1x256xf32> to vector<1x256xf32>
    %slice3A_42 = vector.extract_strided_slice %dot_general3A_36 {offsets = [0, 0], sizes = [2048, 256], strides = [1, 1]} : vector<2048x512xf32> to vector<2048x256xf32>
    %add3A = vector.broadcast %get3A_41 : vector<1x256xf32> to vector<2048x256xf32>
    %add3A_43 = arith.addf %add3A, %slice3A_42 : vector<2048x256xf32>
    %get3A_44 = arith.constant 0 : index
    %get3A_45 = arith.constant 0 : index
    %get3A_46 = vector.load %arg1[%get3A_44, %get3A_45] : memref<2048x256xf32, #tpu.memory_space<vmem>>, vector<2048x256xf32>
    %sub3A_47 = arith.subf %add3A_43, %get3A_46 : vector<2048x256xf32>
    %max3A = arith.constant 0.000000e+00 : f32
    %max3A_48 = vector.broadcast %max3A : f32 to vector<2048x256xf32>
    %max3A_49 = arith.maximumf %sub3A_47, %max3A_48 : vector<2048x256xf32>
    %get3A_50 = arith.constant 0 : index
    %get3A_51 = arith.constant 0 : index
    %get3A_52 = vector.load %arg8[%get3A_50, %get3A_51] : memref<256x256xf32, #tpu.memory_space<vmem>>, vector<256x256xf32>
    %dot_general3A_53 = arith.constant dense<0.000000e+00> : vector<2048x256xf32>
    %dot_general3A_54 = tpu.matmul %max3A_49, %get3A_52, %dot_general3A_53 {dimension_numbers = #tpu.dot_dimension_numbers<[1], [0], [0], [1], [0, 0, 1, 1], [], []>, transpose_lhs_hint = false} : vector<2048x256xf32>, vector<256x256xf32>, vector<2048x256xf32> -> vector<2048x256xf32>
    %slice3A_55 = vector.extract_strided_slice %get3A_1 {offsets = [0, 0], sizes = [2048, 256], strides = [1, 1]} : vector<2048x384xf32> to vector<2048x256xf32>
    %slice3A_56 = vector.extract_strided_slice %dot_general3A_36 {offsets = [0, 256], sizes = [2048, 256], strides = [1, 1]} : vector<2048x512xf32> to vector<2048x256xf32>
    %add3A_57 = arith.addf %slice3A_55, %slice3A_56 : vector<2048x256xf32>
    %get3A_58 = arith.constant 0 : index
    %get3A_59 = arith.constant 0 : index
    %get3A_60 = vector.load %arg9[%get3A_58, %get3A_59] : memref<1x256xf32, #tpu.memory_space<vmem>>, vector<1x256xf32>
    %add3A_61 = vector.broadcast %get3A_60 : vector<1x256xf32> to vector<2048x256xf32>
    %add3A_62 = arith.addf %add3A_57, %add3A_61 : vector<2048x256xf32>
    %reshape3A = vector.shape_cast %dot_general3A_54 : vector<2048x256xf32> to vector<128x16x256xf32>
    %reshape3A_63 = vector.shape_cast %add3A_62 : vector<2048x256xf32> to vector<128x16x256xf32>
    %get3A_64 = arith.constant 0 : index
    %get3A_65 = arith.constant 0 : index
    %get3A_66 = arith.constant 0 : index
    %get3A_67 = vector.load %arg5[%get3A_64, %get3A_65, %get3A_66] : memref<1x1x256xf32, #tpu.memory_space<vmem>>, vector<1x1x256xf32>
    %get3A_68 = vector.shape_cast %get3A_67 : vector<1x1x256xf32> to vector<1x256xf32>
    %reduce_max3A = arith.constant dense<0xFF800000> : vector<128x256xf32>
    %reduce_max3A_69 = vector.multi_reduction <maximumf>, %reshape3A, %reduce_max3A [1] : vector<128x16x256xf32> to vector<128x256xf32>
    %max3A_70 = vector.broadcast %get3A_68 : vector<1x256xf32> to vector<128x256xf32>
    %max3A_71 = arith.maximumf %reduce_max3A_69, %max3A_70 : vector<128x256xf32>
    %broadcast_in_dim3A = vector.shape_cast %max3A_71 : vector<128x256xf32> to vector<128x1x256xf32>
    %sub3A_72 = vector.broadcast %broadcast_in_dim3A : vector<128x1x256xf32> to vector<128x16x256xf32>
    %sub3A_73 = arith.subf %reshape3A, %sub3A_72 : vector<128x16x256xf32>
    %exp3A = math.exp %sub3A_73 : vector<128x16x256xf32>
    %sub3A_74 = vector.broadcast %get3A_68 : vector<1x256xf32> to vector<128x256xf32>
    %sub3A_75 = arith.subf %sub3A_74, %max3A_71 : vector<128x256xf32>
    %exp3A_76 = math.exp %sub3A_75 : vector<128x256xf32>
    %mul3A_77 = arith.mulf %exp3A, %reshape3A_63 : vector<128x16x256xf32>
    %reduce_sum3A = arith.constant dense<0.000000e+00> : vector<128x256xf32>
    %reduce_sum3A_78 = vector.multi_reduction <add>, %mul3A_77, %reduce_sum3A [1] : vector<128x16x256xf32> to vector<128x256xf32>
    %reduce_sum3A_79 = arith.constant dense<0.000000e+00> : vector<128x256xf32>
    %reduce_sum3A_80 = vector.multi_reduction <add>, %exp3A, %reduce_sum3A_79 [1] : vector<128x16x256xf32> to vector<128x256xf32>
    %add3A_81 = arith.addf %reduce_sum3A_80, %exp3A_76 : vector<128x256xf32>
    %get3A_82 = arith.constant 0 : index
    %get3A_83 = arith.constant 0 : index
    %get3A_84 = arith.constant 0 : index
    %get3A_85 = vector.load %arg6[%get3A_82, %get3A_83, %get3A_84] : memref<1x1x256xf32, #tpu.memory_space<vmem>>, vector<1x1x256xf32>
    %get3A_86 = vector.shape_cast %get3A_85 : vector<1x1x256xf32> to vector<1x256xf32>
    %mul3A_87 = vector.broadcast %get3A_86 : vector<1x256xf32> to vector<128x256xf32>
    %mul3A_88 = arith.mulf %exp3A_76, %mul3A_87 : vector<128x256xf32>
    %add3A_89 = arith.addf %reduce_sum3A_78, %mul3A_88 : vector<128x256xf32>
    %div3A = arith.divf %add3A_89, %add3A_81 : vector<128x256xf32>
    %get3A_90 = arith.constant 0 : index
    %get3A_91 = arith.constant 0 : index
    %get3A_92 = vector.load %arg10[%get3A_90, %get3A_91] : memref<256x128xf32, #tpu.memory_space<vmem>>, vector<256x128xf32>
    %dot_general3A_93 = arith.constant dense<0.000000e+00> : vector<128x128xf32>
    %dot_general3A_94 = tpu.matmul %div3A, %get3A_92, %dot_general3A_93 {dimension_numbers = #tpu.dot_dimension_numbers<[1], [0], [0], [1], [0, 0, 1, 1], [], []>, transpose_lhs_hint = false} : vector<128x256xf32>, vector<256x128xf32>, vector<128x128xf32> -> vector<128x128xf32>
    %get3A_95 = arith.constant 0 : index
    %get3A_96 = arith.constant 0 : index
    %get3A_97 = vector.load %arg11[%get3A_95, %get3A_96] : memref<1x128xf32, #tpu.memory_space<vmem>>, vector<1x128xf32>
    %add3A_98 = vector.broadcast %get3A_97 : vector<1x128xf32> to vector<128x128xf32>
    %add3A_99 = arith.addf %dot_general3A_94, %add3A_98 : vector<128x128xf32>
    %get3A_100 = arith.constant 0 : index
    %get3A_101 = arith.constant 0 : index
    %get3A_102 = arith.constant 0 : index
    %get3A_103 = vector.load %arg12[%get3A_100, %get3A_101, %get3A_102] : memref<5x256x128xf32, #tpu.memory_space<vmem>>, vector<1x256x128xf32>
    %get3A_104 = vector.shape_cast %get3A_103 : vector<1x256x128xf32> to vector<256x128xf32>
    %dot_general3A_105 = arith.constant dense<0.000000e+00> : vector<128x128xf32>
    %dot_general3A_106 = tpu.matmul %div3A, %get3A_104, %dot_general3A_105 {dimension_numbers = #tpu.dot_dimension_numbers<[1], [0], [0], [1], [0, 0, 1, 1], [], []>, transpose_lhs_hint = false} : vector<128x256xf32>, vector<256x128xf32>, vector<128x128xf32> -> vector<128x128xf32>
    %add3A_107 = arith.addf %add3A_99, %dot_general3A_106 : vector<128x128xf32>
    %get3A_108 = arith.constant 0 : index
    %get3A_109 = arith.constant 0 : index
    %get3A_110 = vector.load %arg13[%get3A_108, %get3A_109] : memref<5x128xf32, #tpu.memory_space<vmem>>, vector<1x128xf32>
    %add3A_111 = vector.broadcast %get3A_110 : vector<1x128xf32> to vector<128x128xf32>
    %add3A_112 = arith.addf %add3A_107, %add3A_111 : vector<128x128xf32>
    %max3A_113 = arith.constant 0.000000e+00 : f32
    %max3A_114 = vector.broadcast %max3A_113 : f32 to vector<128x128xf32>
    %max3A_115 = arith.maximumf %add3A_112, %max3A_114 : vector<128x128xf32>
    %get3A_116 = arith.constant 0 : index
    %get3A_117 = arith.constant 0 : index
    %get3A_118 = arith.constant 0 : index
    %get3A_119 = vector.load %arg14[%get3A_116, %get3A_117, %get3A_118] : memref<5x128x128xf32, #tpu.memory_space<vmem>>, vector<1x128x128xf32>
    %get3A_120 = vector.shape_cast %get3A_119 : vector<1x128x128xf32> to vector<128x128xf32>
    %dot_general3A_121 = arith.constant dense<0.000000e+00> : vector<128x128xf32>
    %dot_general3A_122 = tpu.matmul %max3A_115, %get3A_120, %dot_general3A_121 {dimension_numbers = #tpu.dot_dimension_numbers<[1], [0], [0], [1], [0, 0, 1, 1], [], []>, transpose_lhs_hint = false} : vector<128x128xf32>, vector<128x128xf32>, vector<128x128xf32> -> vector<128x128xf32>
    %get3A_123 = arith.constant 0 : index
    %get3A_124 = arith.constant 0 : index
    %get3A_125 = vector.load %arg15[%get3A_123, %get3A_124] : memref<5x128xf32, #tpu.memory_space<vmem>>, vector<1x128xf32>
    %add3A_126 = vector.broadcast %get3A_125 : vector<1x128xf32> to vector<128x128xf32>
    %add3A_127 = arith.addf %dot_general3A_122, %add3A_126 : vector<128x128xf32>
    %max3A_128 = arith.constant 0.000000e+00 : f32
    %max3A_129 = vector.broadcast %max3A_128 : f32 to vector<128x128xf32>
    %max3A_130 = arith.maximumf %add3A_127, %max3A_129 : vector<128x128xf32>
    %get3A_131 = arith.constant 0 : index
    %get3A_132 = arith.constant 0 : index
    %get3A_133 = arith.constant 0 : index
    %get3A_134 = vector.load %arg16[%get3A_131, %get3A_132, %get3A_133] : memref<5x128x128xf32, #tpu.memory_space<vmem>>, vector<1x128x128xf32>
    %get3A_135 = vector.shape_cast %get3A_134 : vector<1x128x128xf32> to vector<128x128xf32>
    %dot_general3A_136 = arith.constant dense<0.000000e+00> : vector<128x128xf32>
    %dot_general3A_137 = tpu.matmul %max3A_130, %get3A_135, %dot_general3A_136 {dimension_numbers = #tpu.dot_dimension_numbers<[1], [0], [0], [1], [0, 0, 1, 1], [], []>, transpose_lhs_hint = false} : vector<128x128xf32>, vector<128x128xf32>, vector<128x128xf32> -> vector<128x128xf32>
    %get3A_138 = arith.constant 0 : index
    %get3A_139 = arith.constant 0 : index
    %get3A_140 = vector.load %arg17[%get3A_138, %get3A_139] : memref<5x128xf32, #tpu.memory_space<vmem>>, vector<1x128xf32>
    %add3A_141 = vector.broadcast %get3A_140 : vector<1x128xf32> to vector<128x128xf32>
    %add3A_142 = arith.addf %dot_general3A_137, %add3A_141 : vector<128x128xf32>
    %add3A_143 = arith.addf %add3A_112, %add3A_142 : vector<128x128xf32>
    %get3A_144 = arith.constant 1 : index
    %get3A_145 = arith.constant 0 : index
    %get3A_146 = arith.constant 0 : index
    %get3A_147 = vector.load %arg12[%get3A_144, %get3A_145, %get3A_146] : memref<5x256x128xf32, #tpu.memory_space<vmem>>, vector<1x256x128xf32>
    %get3A_148 = vector.shape_cast %get3A_147 : vector<1x256x128xf32> to vector<256x128xf32>
    %dot_general3A_149 = arith.constant dense<0.000000e+00> : vector<128x128xf32>
    %dot_general3A_150 = tpu.matmul %div3A, %get3A_148, %dot_general3A_149 {dimension_numbers = #tpu.dot_dimension_numbers<[1], [0], [0], [1], [0, 0, 1, 1], [], []>, transpose_lhs_hint = false} : vector<128x256xf32>, vector<256x128xf32>, vector<128x128xf32> -> vector<128x128xf32>
    %add3A_151 = arith.addf %add3A_143, %dot_general3A_150 : vector<128x128xf32>
    %get3A_152 = arith.constant 1 : index
    %get3A_153 = arith.constant 0 : index
    %get3A_154 = vector.load %arg13[%get3A_152, %get3A_153] : memref<5x128xf32, #tpu.memory_space<vmem>>, vector<1x128xf32>
    %add3A_155 = vector.broadcast %get3A_154 : vector<1x128xf32> to vector<128x128xf32>
    %add3A_156 = arith.addf %add3A_151, %add3A_155 : vector<128x128xf32>
    %max3A_157 = arith.constant 0.000000e+00 : f32
    %max3A_158 = vector.broadcast %max3A_157 : f32 to vector<128x128xf32>
    %max3A_159 = arith.maximumf %add3A_156, %max3A_158 : vector<128x128xf32>
    %get3A_160 = arith.constant 1 : index
    %get3A_161 = arith.constant 0 : index
    %get3A_162 = arith.constant 0 : index
    %get3A_163 = vector.load %arg14[%get3A_160, %get3A_161, %get3A_162] : memref<5x128x128xf32, #tpu.memory_space<vmem>>, vector<1x128x128xf32>
    %get3A_164 = vector.shape_cast %get3A_163 : vector<1x128x128xf32> to vector<128x128xf32>
    %dot_general3A_165 = arith.constant dense<0.000000e+00> : vector<128x128xf32>
    %dot_general3A_166 = tpu.matmul %max3A_159, %get3A_164, %dot_general3A_165 {dimension_numbers = #tpu.dot_dimension_numbers<[1], [0], [0], [1], [0, 0, 1, 1], [], []>, transpose_lhs_hint = false} : vector<128x128xf32>, vector<128x128xf32>, vector<128x128xf32> -> vector<128x128xf32>
    %get3A_167 = arith.constant 1 : index
    %get3A_168 = arith.constant 0 : index
    %get3A_169 = vector.load %arg15[%get3A_167, %get3A_168] : memref<5x128xf32, #tpu.memory_space<vmem>>, vector<1x128xf32>
    %add3A_170 = vector.broadcast %get3A_169 : vector<1x128xf32> to vector<128x128xf32>
    %add3A_171 = arith.addf %dot_general3A_166, %add3A_170 : vector<128x128xf32>
    %max3A_172 = arith.constant 0.000000e+00 : f32
    %max3A_173 = vector.broadcast %max3A_172 : f32 to vector<128x128xf32>
    %max3A_174 = arith.maximumf %add3A_171, %max3A_173 : vector<128x128xf32>
    %get3A_175 = arith.constant 1 : index
    %get3A_176 = arith.constant 0 : index
    %get3A_177 = arith.constant 0 : index
    %get3A_178 = vector.load %arg16[%get3A_175, %get3A_176, %get3A_177] : memref<5x128x128xf32, #tpu.memory_space<vmem>>, vector<1x128x128xf32>
    %get3A_179 = vector.shape_cast %get3A_178 : vector<1x128x128xf32> to vector<128x128xf32>
    %dot_general3A_180 = arith.constant dense<0.000000e+00> : vector<128x128xf32>
    %dot_general3A_181 = tpu.matmul %max3A_174, %get3A_179, %dot_general3A_180 {dimension_numbers = #tpu.dot_dimension_numbers<[1], [0], [0], [1], [0, 0, 1, 1], [], []>, transpose_lhs_hint = false} : vector<128x128xf32>, vector<128x128xf32>, vector<128x128xf32> -> vector<128x128xf32>
    %get3A_182 = arith.constant 1 : index
    %get3A_183 = arith.constant 0 : index
    %get3A_184 = vector.load %arg17[%get3A_182, %get3A_183] : memref<5x128xf32, #tpu.memory_space<vmem>>, vector<1x128xf32>
    %add3A_185 = vector.broadcast %get3A_184 : vector<1x128xf32> to vector<128x128xf32>
    %add3A_186 = arith.addf %dot_general3A_181, %add3A_185 : vector<128x128xf32>
    %add3A_187 = arith.addf %add3A_156, %add3A_186 : vector<128x128xf32>
    %get3A_188 = arith.constant 2 : index
    %get3A_189 = arith.constant 0 : index
    %get3A_190 = arith.constant 0 : index
    %get3A_191 = vector.load %arg12[%get3A_188, %get3A_189, %get3A_190] : memref<5x256x128xf32, #tpu.memory_space<vmem>>, vector<1x256x128xf32>
    %get3A_192 = vector.shape_cast %get3A_191 : vector<1x256x128xf32> to vector<256x128xf32>
    %dot_general3A_193 = arith.constant dense<0.000000e+00> : vector<128x128xf32>
    %dot_general3A_194 = tpu.matmul %div3A, %get3A_192, %dot_general3A_193 {dimension_numbers = #tpu.dot_dimension_numbers<[1], [0], [0], [1], [0, 0, 1, 1], [], []>, transpose_lhs_hint = false} : vector<128x256xf32>, vector<256x128xf32>, vector<128x128xf32> -> vector<128x128xf32>
    %add3A_195 = arith.addf %add3A_187, %dot_general3A_194 : vector<128x128xf32>
    %get3A_196 = arith.constant 2 : index
    %get3A_197 = arith.constant 0 : index
    %get3A_198 = vector.load %arg13[%get3A_196, %get3A_197] : memref<5x128xf32, #tpu.memory_space<vmem>>, vector<1x128xf32>
    %add3A_199 = vector.broadcast %get3A_198 : vector<1x128xf32> to vector<128x128xf32>
    %add3A_200 = arith.addf %add3A_195, %add3A_199 : vector<128x128xf32>
    %max3A_201 = arith.constant 0.000000e+00 : f32
    %max3A_202 = vector.broadcast %max3A_201 : f32 to vector<128x128xf32>
    %max3A_203 = arith.maximumf %add3A_200, %max3A_202 : vector<128x128xf32>
    %get3A_204 = arith.constant 2 : index
    %get3A_205 = arith.constant 0 : index
    %get3A_206 = arith.constant 0 : index
    %get3A_207 = vector.load %arg14[%get3A_204, %get3A_205, %get3A_206] : memref<5x128x128xf32, #tpu.memory_space<vmem>>, vector<1x128x128xf32>
    %get3A_208 = vector.shape_cast %get3A_207 : vector<1x128x128xf32> to vector<128x128xf32>
    %dot_general3A_209 = arith.constant dense<0.000000e+00> : vector<128x128xf32>
    %dot_general3A_210 = tpu.matmul %max3A_203, %get3A_208, %dot_general3A_209 {dimension_numbers = #tpu.dot_dimension_numbers<[1], [0], [0], [1], [0, 0, 1, 1], [], []>, transpose_lhs_hint = false} : vector<128x128xf32>, vector<128x128xf32>, vector<128x128xf32> -> vector<128x128xf32>
    %get3A_211 = arith.constant 2 : index
    %get3A_212 = arith.constant 0 : index
    %get3A_213 = vector.load %arg15[%get3A_211, %get3A_212] : memref<5x128xf32, #tpu.memory_space<vmem>>, vector<1x128xf32>
    %add3A_214 = vector.broadcast %get3A_213 : vector<1x128xf32> to vector<128x128xf32>
    %add3A_215 = arith.addf %dot_general3A_210, %add3A_214 : vector<128x128xf32>
    %max3A_216 = arith.constant 0.000000e+00 : f32
    %max3A_217 = vector.broadcast %max3A_216 : f32 to vector<128x128xf32>
    %max3A_218 = arith.maximumf %add3A_215, %max3A_217 : vector<128x128xf32>
    %get3A_219 = arith.constant 2 : index
    %get3A_220 = arith.constant 0 : index
    %get3A_221 = arith.constant 0 : index
    %get3A_222 = vector.load %arg16[%get3A_219, %get3A_220, %get3A_221] : memref<5x128x128xf32, #tpu.memory_space<vmem>>, vector<1x128x128xf32>
    %get3A_223 = vector.shape_cast %get3A_222 : vector<1x128x128xf32> to vector<128x128xf32>
    %dot_general3A_224 = arith.constant dense<0.000000e+00> : vector<128x128xf32>
    %dot_general3A_225 = tpu.matmul %max3A_218, %get3A_223, %dot_general3A_224 {dimension_numbers = #tpu.dot_dimension_numbers<[1], [0], [0], [1], [0, 0, 1, 1], [], []>, transpose_lhs_hint = false} : vector<128x128xf32>, vector<128x128xf32>, vector<128x128xf32> -> vector<128x128xf32>
    %get3A_226 = arith.constant 2 : index
    %get3A_227 = arith.constant 0 : index
    %get3A_228 = vector.load %arg17[%get3A_226, %get3A_227] : memref<5x128xf32, #tpu.memory_space<vmem>>, vector<1x128xf32>
    %add3A_229 = vector.broadcast %get3A_228 : vector<1x128xf32> to vector<128x128xf32>
    %add3A_230 = arith.addf %dot_general3A_225, %add3A_229 : vector<128x128xf32>
    %add3A_231 = arith.addf %add3A_200, %add3A_230 : vector<128x128xf32>
    %get3A_232 = arith.constant 3 : index
    %get3A_233 = arith.constant 0 : index
    %get3A_234 = arith.constant 0 : index
    %get3A_235 = vector.load %arg12[%get3A_232, %get3A_233, %get3A_234] : memref<5x256x128xf32, #tpu.memory_space<vmem>>, vector<1x256x128xf32>
    %get3A_236 = vector.shape_cast %get3A_235 : vector<1x256x128xf32> to vector<256x128xf32>
    %dot_general3A_237 = arith.constant dense<0.000000e+00> : vector<128x128xf32>
    %dot_general3A_238 = tpu.matmul %div3A, %get3A_236, %dot_general3A_237 {dimension_numbers = #tpu.dot_dimension_numbers<[1], [0], [0], [1], [0, 0, 1, 1], [], []>, transpose_lhs_hint = false} : vector<128x256xf32>, vector<256x128xf32>, vector<128x128xf32> -> vector<128x128xf32>
    %add3A_239 = arith.addf %add3A_231, %dot_general3A_238 : vector<128x128xf32>
    %get3A_240 = arith.constant 3 : index
    %get3A_241 = arith.constant 0 : index
    %get3A_242 = vector.load %arg13[%get3A_240, %get3A_241] : memref<5x128xf32, #tpu.memory_space<vmem>>, vector<1x128xf32>
    %add3A_243 = vector.broadcast %get3A_242 : vector<1x128xf32> to vector<128x128xf32>
    %add3A_244 = arith.addf %add3A_239, %add3A_243 : vector<128x128xf32>
    %max3A_245 = arith.constant 0.000000e+00 : f32
    %max3A_246 = vector.broadcast %max3A_245 : f32 to vector<128x128xf32>
    %max3A_247 = arith.maximumf %add3A_244, %max3A_246 : vector<128x128xf32>
    %get3A_248 = arith.constant 3 : index
    %get3A_249 = arith.constant 0 : index
    %get3A_250 = arith.constant 0 : index
    %get3A_251 = vector.load %arg14[%get3A_248, %get3A_249, %get3A_250] : memref<5x128x128xf32, #tpu.memory_space<vmem>>, vector<1x128x128xf32>
    %get3A_252 = vector.shape_cast %get3A_251 : vector<1x128x128xf32> to vector<128x128xf32>
    %dot_general3A_253 = arith.constant dense<0.000000e+00> : vector<128x128xf32>
    %dot_general3A_254 = tpu.matmul %max3A_247, %get3A_252, %dot_general3A_253 {dimension_numbers = #tpu.dot_dimension_numbers<[1], [0], [0], [1], [0, 0, 1, 1], [], []>, transpose_lhs_hint = false} : vector<128x128xf32>, vector<128x128xf32>, vector<128x128xf32> -> vector<128x128xf32>
    %get3A_255 = arith.constant 3 : index
    %get3A_256 = arith.constant 0 : index
    %get3A_257 = vector.load %arg15[%get3A_255, %get3A_256] : memref<5x128xf32, #tpu.memory_space<vmem>>, vector<1x128xf32>
    %add3A_258 = vector.broadcast %get3A_257 : vector<1x128xf32> to vector<128x128xf32>
    %add3A_259 = arith.addf %dot_general3A_254, %add3A_258 : vector<128x128xf32>
    %max3A_260 = arith.constant 0.000000e+00 : f32
    %max3A_261 = vector.broadcast %max3A_260 : f32 to vector<128x128xf32>
    %max3A_262 = arith.maximumf %add3A_259, %max3A_261 : vector<128x128xf32>
    %get3A_263 = arith.constant 3 : index
    %get3A_264 = arith.constant 0 : index
    %get3A_265 = arith.constant 0 : index
    %get3A_266 = vector.load %arg16[%get3A_263, %get3A_264, %get3A_265] : memref<5x128x128xf32, #tpu.memory_space<vmem>>, vector<1x128x128xf32>
    %get3A_267 = vector.shape_cast %get3A_266 : vector<1x128x128xf32> to vector<128x128xf32>
    %dot_general3A_268 = arith.constant dense<0.000000e+00> : vector<128x128xf32>
    %dot_general3A_269 = tpu.matmul %max3A_262, %get3A_267, %dot_general3A_268 {dimension_numbers = #tpu.dot_dimension_numbers<[1], [0], [0], [1], [0, 0, 1, 1], [], []>, transpose_lhs_hint = false} : vector<128x128xf32>, vector<128x128xf32>, vector<128x128xf32> -> vector<128x128xf32>
    %get3A_270 = arith.constant 3 : index
    %get3A_271 = arith.constant 0 : index
    %get3A_272 = vector.load %arg17[%get3A_270, %get3A_271] : memref<5x128xf32, #tpu.memory_space<vmem>>, vector<1x128xf32>
    %add3A_273 = vector.broadcast %get3A_272 : vector<1x128xf32> to vector<128x128xf32>
    %add3A_274 = arith.addf %dot_general3A_269, %add3A_273 : vector<128x128xf32>
    %add3A_275 = arith.addf %add3A_244, %add3A_274 : vector<128x128xf32>
    %get3A_276 = arith.constant 4 : index
    %get3A_277 = arith.constant 0 : index
    %get3A_278 = arith.constant 0 : index
    %get3A_279 = vector.load %arg12[%get3A_276, %get3A_277, %get3A_278] : memref<5x256x128xf32, #tpu.memory_space<vmem>>, vector<1x256x128xf32>
    %get3A_280 = vector.shape_cast %get3A_279 : vector<1x256x128xf32> to vector<256x128xf32>
    %dot_general3A_281 = arith.constant dense<0.000000e+00> : vector<128x128xf32>
    %dot_general3A_282 = tpu.matmul %div3A, %get3A_280, %dot_general3A_281 {dimension_numbers = #tpu.dot_dimension_numbers<[1], [0], [0], [1], [0, 0, 1, 1], [], []>, transpose_lhs_hint = false} : vector<128x256xf32>, vector<256x128xf32>, vector<128x128xf32> -> vector<128x128xf32>
    %add3A_283 = arith.addf %add3A_275, %dot_general3A_282 : vector<128x128xf32>
    %get3A_284 = arith.constant 4 : index
    %get3A_285 = arith.constant 0 : index
    %get3A_286 = vector.load %arg13[%get3A_284, %get3A_285] : memref<5x128xf32, #tpu.memory_space<vmem>>, vector<1x128xf32>
    %add3A_287 = vector.broadcast %get3A_286 : vector<1x128xf32> to vector<128x128xf32>
    %add3A_288 = arith.addf %add3A_283, %add3A_287 : vector<128x128xf32>
    %max3A_289 = arith.constant 0.000000e+00 : f32
    %max3A_290 = vector.broadcast %max3A_289 : f32 to vector<128x128xf32>
    %max3A_291 = arith.maximumf %add3A_288, %max3A_290 : vector<128x128xf32>
    %get3A_292 = arith.constant 4 : index
    %get3A_293 = arith.constant 0 : index
    %get3A_294 = arith.constant 0 : index
    %get3A_295 = vector.load %arg14[%get3A_292, %get3A_293, %get3A_294] : memref<5x128x128xf32, #tpu.memory_space<vmem>>, vector<1x128x128xf32>
    %get3A_296 = vector.shape_cast %get3A_295 : vector<1x128x128xf32> to vector<128x128xf32>
    %dot_general3A_297 = arith.constant dense<0.000000e+00> : vector<128x128xf32>
    %dot_general3A_298 = tpu.matmul %max3A_291, %get3A_296, %dot_general3A_297 {dimension_numbers = #tpu.dot_dimension_numbers<[1], [0], [0], [1], [0, 0, 1, 1], [], []>, transpose_lhs_hint = false} : vector<128x128xf32>, vector<128x128xf32>, vector<128x128xf32> -> vector<128x128xf32>
    %get3A_299 = arith.constant 4 : index
    %get3A_300 = arith.constant 0 : index
    %get3A_301 = vector.load %arg15[%get3A_299, %get3A_300] : memref<5x128xf32, #tpu.memory_space<vmem>>, vector<1x128xf32>
    %add3A_302 = vector.broadcast %get3A_301 : vector<1x128xf32> to vector<128x128xf32>
    %add3A_303 = arith.addf %dot_general3A_298, %add3A_302 : vector<128x128xf32>
    %max3A_304 = arith.constant 0.000000e+00 : f32
    %max3A_305 = vector.broadcast %max3A_304 : f32 to vector<128x128xf32>
    %max3A_306 = arith.maximumf %add3A_303, %max3A_305 : vector<128x128xf32>
    %get3A_307 = arith.constant 4 : index
    %get3A_308 = arith.constant 0 : index
    %get3A_309 = arith.constant 0 : index
    %get3A_310 = vector.load %arg16[%get3A_307, %get3A_308, %get3A_309] : memref<5x128x128xf32, #tpu.memory_space<vmem>>, vector<1x128x128xf32>
    %get3A_311 = vector.shape_cast %get3A_310 : vector<1x128x128xf32> to vector<128x128xf32>
    %dot_general3A_312 = arith.constant dense<0.000000e+00> : vector<128x128xf32>
    %dot_general3A_313 = tpu.matmul %max3A_306, %get3A_311, %dot_general3A_312 {dimension_numbers = #tpu.dot_dimension_numbers<[1], [0], [0], [1], [0, 0, 1, 1], [], []>, transpose_lhs_hint = false} : vector<128x128xf32>, vector<128x128xf32>, vector<128x128xf32> -> vector<128x128xf32>
    %get3A_314 = arith.constant 4 : index
    %get3A_315 = arith.constant 0 : index
    %get3A_316 = vector.load %arg17[%get3A_314, %get3A_315] : memref<5x128xf32, #tpu.memory_space<vmem>>, vector<1x128xf32>
    %add3A_317 = vector.broadcast %get3A_316 : vector<1x128xf32> to vector<128x128xf32>
    %add3A_318 = arith.addf %dot_general3A_313, %add3A_317 : vector<128x128xf32>
    %add3A_319 = arith.addf %add3A_288, %add3A_318 : vector<128x128xf32>
    %max3A_320 = arith.constant 0.000000e+00 : f32
    %max3A_321 = vector.broadcast %max3A_320 : f32 to vector<128x128xf32>
    %max3A_322 = arith.maximumf %add3A_319, %max3A_321 : vector<128x128xf32>
    %get3A_323 = arith.constant 0 : index
    %get3A_324 = arith.constant 0 : index
    %get3A_325 = vector.load %arg18[%get3A_323, %get3A_324] : memref<128x3xf32, #tpu.memory_space<vmem>>, vector<128x3xf32>
    %dot_general3A_326 = arith.constant dense<0.000000e+00> : vector<128x3xf32>
    %dot_general3A_327 = tpu.matmul %max3A_322, %get3A_325, %dot_general3A_326 {dimension_numbers = #tpu.dot_dimension_numbers<[1], [0], [0], [1], [0, 0, 1, 1], [], []>, transpose_lhs_hint = false} : vector<128x128xf32>, vector<128x3xf32>, vector<128x3xf32> -> vector<128x3xf32>
    %get3A_328 = arith.constant 0 : index
    %get3A_329 = arith.constant 0 : index
    %get3A_330 = vector.load %arg19[%get3A_328, %get3A_329] : memref<1x3xf32, #tpu.memory_space<vmem>>, vector<1x3xf32>
    %add3A_331 = vector.broadcast %get3A_330 : vector<1x3xf32> to vector<128x3xf32>
    %add3A_332 = arith.addf %dot_general3A_327, %add3A_331 : vector<128x3xf32>
    %swap3A = arith.constant 0 : index
    %swap3A_333 = arith.constant 0 : index
    %swap3A_334 = vector.load %arg20[%swap3A, %swap3A_333] : memref<128x3xf32, #tpu.memory_space<vmem>>, vector<128x3xf32>
    tpu.vector_store %arg20[%swap3A, %swap3A_333], %add3A_332 {strides = array<i32>} : memref<128x3xf32, #tpu.memory_space<vmem>>, vector<128x3xf32>,
    return
  }
  func.func @transform_0(%arg0: i32) -> (i32, i32) {
    %c0_i32 = arith.constant 0 : i32
    %c0_i32_0 = arith.constant 0 : i32
    return %arg0, %c0_i32 : i32, i32
  }
  func.func @transform_1(%arg0: i32) -> (i32, i32) {
    %c0_i32 = arith.constant 0 : i32
    %c0_i32_0 = arith.constant 0 : i32
    return %arg0, %c0_i32 : i32, i32
  }
  func.func @transform_2(%arg0: i32) -> (i32, i32) {
    %c0_i32 = arith.constant 0 : i32
    %c0_i32_0 = arith.constant 0 : i32
    return %arg0, %c0_i32 : i32, i32
  }
  func.func @transform_3(%arg0: i32) -> (i32, i32, i32) {
    %jit3A = arith.constant 16 : i32
    %div3A = arith.divsi %arg0, %jit3A : i32
    %sign3A = arith.constant 0 : i32
    %sign3A_0 = arith.cmpi sgt, %arg0, %sign3A : i32
    %sign3A_1 = arith.extui %sign3A_0 : i1 to i32
    %sign3A_2 = arith.constant 0 : i32
    %sign3A_3 = arith.cmpi slt, %arg0, %sign3A_2 : i32
    %sign3A_4 = arith.extui %sign3A_3 : i1 to i32
    %sign3A_5 = arith.subi %sign3A_1, %sign3A_4 : i32
    %sign3A_6 = arith.constant 0 : i32
    %sign3A_7 = arith.cmpi sgt, %jit3A, %sign3A_6 : i32
    %sign3A_8 = arith.extui %sign3A_7 : i1 to i32
    %sign3A_9 = arith.constant 0 : i32
    %sign3A_10 = arith.cmpi slt, %jit3A, %sign3A_9 : i32
    %sign3A_11 = arith.extui %sign3A_10 : i1 to i32
    %sign3A_12 = arith.subi %sign3A_8, %sign3A_11 : i32
    %ne3A = arith.cmpi ne, %sign3A_5, %sign3A_12 : i32
    %rem3A = arith.remsi %arg0, %jit3A : i32
    %ne3A_13 = arith.constant 0 : i32
    %ne3A_14 = arith.cmpi ne, %rem3A, %ne3A_13 : i32
    %and3A = arith.andi %ne3A, %ne3A_14 : i1
    %sub3A = arith.constant 1 : i32
    %sub3A_15 = arith.subi %div3A, %sub3A : i32
    %select_n3A = arith.select %and3A, %sub3A_15, %div3A : i32
    %c0_i32 = arith.constant 0 : i32
    %c0_i32_16 = arith.constant 0 : i32
    %c0_i32_17 = arith.constant 0 : i32
    return %select_n3A, %c0_i32, %c0_i32_16 : i32, i32, i32
  }
  func.func @transform_4(%arg0: i32) -> (i32, i32, i32) {
    %jit3A = arith.constant 16 : i32
    %div3A = arith.divsi %arg0, %jit3A : i32
    %sign3A = arith.constant 0 : i32
    %sign3A_0 = arith.cmpi sgt, %arg0, %sign3A : i32
    %sign3A_1 = arith.extui %sign3A_0 : i1 to i32
    %sign3A_2 = arith.constant 0 : i32
    %sign3A_3 = arith.cmpi slt, %arg0, %sign3A_2 : i32
    %sign3A_4 = arith.extui %sign3A_3 : i1 to i32
    %sign3A_5 = arith.subi %sign3A_1, %sign3A_4 : i32
    %sign3A_6 = arith.constant 0 : i32
    %sign3A_7 = arith.cmpi sgt, %jit3A, %sign3A_6 : i32
    %sign3A_8 = arith.extui %sign3A_7 : i1 to i32
    %sign3A_9 = arith.constant 0 : i32
    %sign3A_10 = arith.cmpi slt, %jit3A, %sign3A_9 : i32
    %sign3A_11 = arith.extui %sign3A_10 : i1 to i32
    %sign3A_12 = arith.subi %sign3A_8, %sign3A_11 : i32
    %ne3A = arith.cmpi ne, %sign3A_5, %sign3A_12 : i32
    %rem3A = arith.remsi %arg0, %jit3A : i32
    %ne3A_13 = arith.constant 0 : i32
    %ne3A_14 = arith.cmpi ne, %rem3A, %ne3A_13 : i32
    %and3A = arith.andi %ne3A, %ne3A_14 : i1
    %sub3A = arith.constant 1 : i32
    %sub3A_15 = arith.subi %div3A, %sub3A : i32
    %select_n3A = arith.select %and3A, %sub3A_15, %div3A : i32
    %c0_i32 = arith.constant 0 : i32
    %c0_i32_16 = arith.constant 0 : i32
    %c0_i32_17 = arith.constant 0 : i32
    return %select_n3A, %c0_i32, %c0_i32_16 : i32, i32, i32
  }
  func.func @transform_5(%arg0: i32) -> (i32, i32, i32) {
    %jit3A = arith.constant 16 : i32
    %div3A = arith.divsi %arg0, %jit3A : i32
    %sign3A = arith.constant 0 : i32
    %sign3A_0 = arith.cmpi sgt, %arg0, %sign3A : i32
    %sign3A_1 = arith.extui %sign3A_0 : i1 to i32
    %sign3A_2 = arith.constant 0 : i32
    %sign3A_3 = arith.cmpi slt, %arg0, %sign3A_2 : i32
    %sign3A_4 = arith.extui %sign3A_3 : i1 to i32
    %sign3A_5 = arith.subi %sign3A_1, %sign3A_4 : i32
    %sign3A_6 = arith.constant 0 : i32
    %sign3A_7 = arith.cmpi sgt, %jit3A, %sign3A_6 : i32
    %sign3A_8 = arith.extui %sign3A_7 : i1 to i32
    %sign3A_9 = arith.constant 0 : i32
    %sign3A_10 = arith.cmpi slt, %jit3A, %sign3A_9 : i32
    %sign3A_11 = arith.extui %sign3A_10 : i1 to i32
    %sign3A_12 = arith.subi %sign3A_8, %sign3A_11 : i32
    %ne3A = arith.cmpi ne, %sign3A_5, %sign3A_12 : i32
    %rem3A = arith.remsi %arg0, %jit3A : i32
    %ne3A_13 = arith.constant 0 : i32
    %ne3A_14 = arith.cmpi ne, %rem3A, %ne3A_13 : i32
    %and3A = arith.andi %ne3A, %ne3A_14 : i1
    %sub3A = arith.constant 1 : i32
    %sub3A_15 = arith.subi %div3A, %sub3A : i32
    %select_n3A = arith.select %and3A, %sub3A_15, %div3A : i32
    %c0_i32 = arith.constant 0 : i32
    %c0_i32_16 = arith.constant 0 : i32
    %c0_i32_17 = arith.constant 0 : i32
    return %select_n3A, %c0_i32, %c0_i32_16 : i32, i32, i32
  }
  func.func @transform_6(%arg0: i32) -> (i32, i32) {
    %c0_i32 = arith.constant 0 : i32
    %c0_i32_0 = arith.constant 0 : i32
    %c0_i32_1 = arith.constant 0 : i32
    return %c0_i32, %c0_i32_0 : i32, i32
  }
  func.func @transform_7(%arg0: i32) -> (i32, i32) {
    %c0_i32 = arith.constant 0 : i32
    %c0_i32_0 = arith.constant 0 : i32
    %c0_i32_1 = arith.constant 0 : i32
    return %c0_i32, %c0_i32_0 : i32, i32
  }
  func.func @transform_8(%arg0: i32) -> (i32, i32) {
    %c0_i32 = arith.constant 0 : i32
    %c0_i32_0 = arith.constant 0 : i32
    %c0_i32_1 = arith.constant 0 : i32
    return %c0_i32, %c0_i32_0 : i32, i32
  }
  func.func @transform_9(%arg0: i32) -> (i32, i32) {
    %c0_i32 = arith.constant 0 : i32
    %c0_i32_0 = arith.constant 0 : i32
    %c0_i32_1 = arith.constant 0 : i32
    return %c0_i32, %c0_i32_0 : i32, i32
  }
  func.func @transform_10(%arg0: i32) -> (i32, i32) {
    %c0_i32 = arith.constant 0 : i32
    %c0_i32_0 = arith.constant 0 : i32
    %c0_i32_1 = arith.constant 0 : i32
    return %c0_i32, %c0_i32_0 : i32, i32
  }
  func.func @transform_11(%arg0: i32) -> (i32, i32, i32) {
    %c0_i32 = arith.constant 0 : i32
    %c0_i32_0 = arith.constant 0 : i32
    %c0_i32_1 = arith.constant 0 : i32
    %c0_i32_2 = arith.constant 0 : i32
    return %c0_i32, %c0_i32_0, %c0_i32_1 : i32, i32, i32
  }
  func.func @transform_12(%arg0: i32) -> (i32, i32) {
    %c0_i32 = arith.constant 0 : i32
    %c0_i32_0 = arith.constant 0 : i32
    %c0_i32_1 = arith.constant 0 : i32
    return %c0_i32, %c0_i32_0 : i32, i32
  }
  func.func @transform_13(%arg0: i32) -> (i32, i32, i32) {
    %c0_i32 = arith.constant 0 : i32
    %c0_i32_0 = arith.constant 0 : i32
    %c0_i32_1 = arith.constant 0 : i32
    %c0_i32_2 = arith.constant 0 : i32
    return %c0_i32, %c0_i32_0, %c0_i32_1 : i32, i32, i32
  }
  func.func @transform_14(%arg0: i32) -> (i32, i32) {
    %c0_i32 = arith.constant 0 : i32
    %c0_i32_0 = arith.constant 0 : i32
    %c0_i32_1 = arith.constant 0 : i32
    return %c0_i32, %c0_i32_0 : i32, i32
  }
  func.func @transform_15(%arg0: i32) -> (i32, i32, i32) {
    %c0_i32 = arith.constant 0 : i32
    %c0_i32_0 = arith.constant 0 : i32
    %c0_i32_1 = arith.constant 0 : i32
    %c0_i32_2 = arith.constant 0 : i32
    return %c0_i32, %c0_i32_0, %c0_i32_1 : i32, i32, i32
  }
  func.func @transform_16(%arg0: i32) -> (i32, i32) {
    %c0_i32 = arith.constant 0 : i32
    %c0_i32_0 = arith.constant 0 : i32
    %c0_i32_1 = arith.constant 0 : i32
    return %c0_i32, %c0_i32_0 : i32, i32
  }
  func.func @transform_17(%arg0: i32) -> (i32, i32) {
    %c0_i32 = arith.constant 0 : i32
    %c0_i32_0 = arith.constant 0 : i32
    %c0_i32_1 = arith.constant 0 : i32
    return %c0_i32, %c0_i32_0 : i32, i32
  }
  func.func @transform_18(%arg0: i32) -> (i32, i32) {
    %c0_i32 = arith.constant 0 : i32
    %c0_i32_0 = arith.constant 0 : i32
    %c0_i32_1 = arith.constant 0 : i32
    return %c0_i32, %c0_i32_0 : i32, i32
  }
  func.func @transform_19(%arg0: i32) -> (i32, i32) {
    %c0_i32 = arith.constant 0 : i32
    %c0_i32_0 = arith.constant 0 : i32
    return %arg0, %c0_i32 : i32, i32
  }
}

</mosaic_0001>

<sc_bundles>
// kernel: kernel.6.cloned.1.call-start
scs
__scs_entry_jumppad:
0x0: {  	(pc) =	sbr.rel $0x88, $3  }
0x1: {  	(tag) =	ssettag $0x0;
	lr =	simm.s32 $0x1  }
0x2: {  	[smem:$0x3F89] =	sst lr;
	_ =	strace $0xD0000000  }
0x3: {  	_ = 	snop  }
0x4: {  	_ = 	snop  }
0x5: {  	_ = 	snop  }
0x6: {  	_ = 	snop  }
0x7: {  	_ = 	snop  }
__scs_overlays_trampoline_lowered:
0x8: {  	[smem:$0x3F98] =	sst s0  }
0x9: {  	[smem:$0x3F99] =	sst s1  }
0xa: {  	[smem:$0x3F9A] =	sst s2  }
0xb: {  	[smem:$0x3F9B] =	sst s3  }
0xc: {  	[smem:$0x3F9C] =	sst s4  }
0xd: {  	[smem:$0x3F9D] =	sst s5  }
0xe: {  	[smem:$0x3F9E] =	sst s6  }
0xf: {  	[smem:$0x3F9F] =	sst s7  }
0x10: {  	[smem:$0x3FA0] =	sst s8  }
0x11: {  	[smem:$0x3FA1] =	sst s9;
	s0 =	simm.s32 @!p0 $0x0  }
0x12: {  	s1 =	sld [smem:$0x3F87];
	s0 =	simm.s32 @p0 $0x1  }
0x13: {  	[smem:$0x3FA2] =	sst s0;
	s0 =	simm.s32 @!p1 $0x0  }
0x14: {  	s2 =	sld [smem:$0x3F86];
	s0 =	simm.s32 @p1 $0x1  }
0x15: {  	[smem:$0x3FA3] =	sst s0;
	s0 =	simm.s32 @!p2 $0x0  }
0x16: {  	s3 =	sld [smem:$0x3FDB];
	s0 =	simm.s32 @p2 $0x1  }
0x17: {  	s4 =	simm.s32 $0x1BF5;
	[smem:$0x3FA5] =	sst s0  }
0x18: {  	s0 =	sld [smem:$0x3F88];
	_ =	swait.ge [sflag:s4], $0x0  }
0x19: {  	s7 =	sld [smem:$0x3F89]  }
0x1a: {  	s8 =	sadd.s32 $0xFFFFE003, lr  }
0x1b: {  	s9 =	sadd.s32 $0xFFFFFEF7, lr;
	s5 =	simm.s32 $0xFFFFFFFF;
	p2 =	slt.u32 s8, $0xFFFFF086  }
0x1c: {  	p1 =	slt.u32 s9, $0xF7A;
	s5 =	simm.s32 @!p2 $0x0  }
0x1d: {  	s5 =	simm.s32 @p1 $0x1;
	p0 =	seq.s32 s7, s2  }
0x1e: {  	s7 =	smul.u32 @!p0 $0xF7A, s2;
	p2 =	seq.s32 @!p0 s5, $0x0  }
0x1f: {  	s9 =	smul.u32 $0xF7A, s1;
	s8 =	simm.s32 @!p0 $0x1BF5;
	p2 =	por !p2, p0  }
0x20: {  	[sflag:s8] =	ssyncset.s32 @!p0 $0xFFFFF086;
	s6 =	sadd.s32 @!p0 s3, s7;
	s7 =	simm.s32 @!p0 $0x108  }
0x21: {  	s3 =	sadd.s32 s3, s9;
	s6 =	sadd.s32 @!p0 $0x88, s6;
	s7 =	simm.s32 @p2 $0x1082  }
0x22: {  	[simem:s7], [sflag:s8] =	dma.local @!p0 [hbm:s6], $0xF7A  }
0x23: {  	s9 =	sor.u32 $0xD0000000, s2;
	s6 =	simm.s32 $0x108;
	_ =	swait.ge @!p0 [sflag:s8], $0x0  }
0x24: {  	s3 =	sadd.s32 $0x88, s3;
	s6 =	simm.s32 @!p1 $0x1082;
	[sflag:s4] =	ssyncset.s32 $0xFFFFF086  }
0x25: {  	[simem:s6], [sflag:s4] =	dma.local [hbm:s3], $0xF7A  }
0x26: {  	[smem:$0x3F89] =	sst s1;
	(tag) =	ssettag s2;
	_ =	strace s9  }
0x27: {  	s1 =	sld [smem:$0x3F99]  }
0x28: {  	s2 =	sld [smem:$0x3F9A]  }
0x29: {  	s4 =	sld [smem:$0x3F9C]  }
0x2a: {  	p0 =	seq.s32 s5, $0x0;
	s5 =	sld [smem:$0x3F9D]  }
0x2b: {  	s6 =	sld [smem:$0x3F9E]  }
0x2c: {  	s7 =	sld [smem:$0x3F9F]  }
0x2d: {  	s3 =	simm.s32 $0x108;
	s8 =	sld [smem:$0x3FA0]  }
0x2e: {  	s3 =	simm.s32 @!p0 $0x1082;
	s9 =	sld [smem:$0x3FA1]  }
0x2f: {  	lr =	sadd.s32 s0, s3;
	s0 =	sld [smem:$0x3F98]  }
0x30: {  	s3 =	sld [smem:$0x3F9B]  }
0x31: {  	[smem:$0x3FA4] =	sst s10  }
0x32: {  	s10 =	sld [smem:$0x3FA2];
	_ =	sdelay $0x3  }
0x33: {  	p0 =	seq.s32 s10, $0x1;
	s10 =	sld [smem:$0x3FA4];
	_ =	sdelay $0x3  }
0x34: {  	[smem:$0x3FA4] =	sst s10  }
0x35: {  	s10 =	sld [smem:$0x3FA3];
	_ =	sdelay $0x3  }
0x36: {  	p1 =	seq.s32 s10, $0x1;
	s10 =	sld [smem:$0x3FA4];
	_ =	sdelay $0x3  }
0x37: {  	[smem:$0x3FA4] =	sst s10  }
0x38: {  	s10 =	sld [smem:$0x3FA5]  }
0x39: {  	_ = 	snop;
	(pc) =	sbr.ind lr, $3  }
0x3a: {  	_ = 	snop  }
0x3b: {  	_ = 	snop  }
0x3c: {  	p2 =	seq.s32 s10, $0x1;
	s10 =	sld [smem:$0x3FA4]  }
0x3d: {  	_ =	shalt  }
0x3e: {  	_ =	shalt  }
0x3f: {  	_ =	shalt  }
0x40: {  	_ =	shalt  }
0x41: {  	_ =	shalt  }
0x42: {  	_ =	shalt  }
0x43: {  	_ =	shalt  }
0x44: {  	_ =	shalt  }
0x45: {  	_ =	shalt  }
0x46: {  	_ =	shalt  }
0x47: {  	_ =	shalt  }
0x48: {  	_ =	shalt  }
0x49: {  	_ =	shalt  }
0x4a: {  	_ =	shalt  }
0x4b: {  	_ =	shalt  }
0x4c: {  	_ =	shalt  }
0x4d: {  	_ =	shalt  }
0x4e: {  	_ =	shalt  }
0x4f: {  	_ =	shalt  }
0x50: {  	_ =	shalt  }
0x51: {  	_ =	shalt  }
0x52: {  	_ =	shalt  }
0x53: {  	_ =	shalt  }
0x54: {  	_ =	shalt  }
0x55: {  	_ =	shalt  }
0x56: {  	_ =	shalt  }
0x57: {  	_ =	shalt  }
0x58: {  	_ =	shalt  }
0x59: {  	_ =	shalt  }
0x5a: {  	_ =	shalt  }
0x5b: {  	_ =	shalt  }
0x5c: {  	_ =	shalt  }
0x5d: {  	_ =	shalt  }
0x5e: {  	_ =	shalt  }
0x5f: {  	_ =	shalt  }
0x60: {  	_ =	shalt  }
0x61: {  	_ =	shalt  }
0x62: {  	_ =	shalt  }
0x63: {  	_ =	shalt  }
0x64: {  	_ =	shalt  }
0x65: {  	_ =	shalt  }
0x66: {  	_ =	shalt  }
0x67: {  	_ =	shalt  }
0x68: {  	_ =	shalt  }
0x69: {  	_ =	shalt  }
0x6a: {  	_ =	shalt  }
0x6b: {  	_ =	shalt  }
0x6c: {  	_ =	shalt  }
0x6d: {  	_ =	shalt  }
0x6e: {  	_ =	shalt  }
0x6f: {  	_ =	shalt  }
0x70: {  	_ =	shalt  }
0x71: {  	_ =	shalt  }
0x72: {  	_ =	shalt  }
0x73: {  	_ =	shalt  }
0x74: {  	_ =	shalt  }
0x75: {  	_ =	shalt  }
0x76: {  	_ =	shalt  }
0x77: {  	_ =	shalt  }
0x78: {  	_ =	shalt  }
0x79: {  	_ =	shalt  }
0x7a: {  	_ =	shalt  }
0x7b: {  	_ =	shalt  }
0x7c: {  	_ =	shalt  }
0x7d: {  	_ =	shalt  }
0x7e: {  	_ =	shalt  }
0x7f: {  	_ =	shalt  }
0x80: {  	_ =	shalt  }
0x81: {  	_ =	shalt  }
0x82: {  	_ =	shalt  }
0x83: {  	_ =	shalt  }
0x84: {  	_ =	shalt  }
0x85: {  	_ =	shalt  }
0x86: {  	_ =	shalt  }
0x87: {  	_ =	shalt  }
.Lfunc_end0:
.L_simem_size_0:
called_computation_lowered:
.L_overlay_start_0:
0x88: {  	s2 =	sld [smem:$0x3FD9]  }
0x89: {  	s3 =	sld [smem:$0x3FFE];
	_ =	sdelay $0x1  }
0x8a: {  	s1 =	srdreg.scid  }
0x8b: {  	s0 =	sand.u32 $0x1, s1  }
0x8c: {  	s16 =	sshll.u32 s0, $0xA;
	s2 =	sadd.s32 s3, s2  }
0x8d: {  	s2 =	sadd.s32 s2, s16  }
0x8e: {  	[smem:$0x3FB0] =	sst s2  }
0x8f: {  	_ = 	snop  }
0x90: {  	(tm) =	ssettm $0x1  }
0x91: {  	s17 =	sld [smem:$0x3FFB];
	_ =	sdelay $0x3  }
0x92: {  	_ =	strace s17  }
0x93: {  	s2 =	sld [smem:$0x3FFC];
	_ =	sdelay $0x3  }
0x94: {  	_ =	strace s2  }
0x95: {  	s2 =	sld [smem:$0x3FFD];
	_ =	sdelay $0x3  }
0x96: {  	_ =	strace s2  }
0x97: {  	_ =	strace $0x8FFFFFFF  }
0x98: {  	s18 =	sld [smem:$0x3FDB];
	_ =	sdelay $0x1  }
0x99: {  	s19 =	simm.s32 $_scs_section_size  }
0x9a: {  	s4 =	simm.s32 $_size__tile_overlayer_lowered;
	s5 =	simm.s32 $_tile_overlayer_lowered  }
0x9b: {  	s22 =	simm.s32 $0x1BFF;
	s21 =	sshll.u32 s5, $0x1;
	s2 =	sadd.s32 s19, s18  }
0x9c: {  	s6 =	simm.s32 $0x0;
	s20 =	sshll.u32 s4, $0x1;
	s4 =	sadd.s32 s21, s2  }
0x9d: {  	[timem:s6], [sflag:s22] =	dma.local [hbm:s4], s20  }
0x9e: {  	_ =	swait.ge [sflag:s22], s20  }
0x9f: {  	s3 =	ssub.s32 $0x0, s20;
	[sflag:s22] =	ssyncset.done $0x0  }
0xa0: {  	[sflag:s22] =	ssyncadd.s32 s3;
	_ =	sdelay $0x1  }
0xa1: {  	s23 =	simm.s32 $0x1B8B  }
0xa2: {  	_ =	swait.ge [sflag:s23], $0x1  }
0xa3: {  	[sflag:s23] =	ssyncset.done $0x0  }
0xa4: {  	s25 =	simm.s32 $0x1B8E;
	s24 =	sld [smem:$0x3FFE];
	[sflag:s23] =	ssyncadd.s32 $0xFFFFFFFF  }
0xa5: {  	s26 =	simm.s32 $execute0_lowered;
	[smem:$0x3FD2] =	sst s25  }
0xa6: {  	s4 =	sshll.u32 s26, $0x1;
	_ =	strace $0x80000046;
	[dreg:$0x1] =	wrdreg $0xFFFFFFFF  }
0xa7: {  	s28 =	simm.s32 $_size_execute0_lowered;
	s2 =	sadd.s32 s2, s4;
	[dreg:$0x0] =	wrdreg $0x0  }
0xa8: {  	s4 =	sshll.u32 s28, $0x1;
	[dreg:$0x2] =	wrdreg s2  }
0xa9: {  	[dreg:$0x3] =	wrdreg s4  }
0xaa: {  	[dreg:$0x4] =	wrdreg $0xC0  }
0xab: {  	_ =	task [dreg:s6], $0x5FFFF  }
0xac: {  	[dreg:$0x1] =	wrdreg $0xFFFFFFFF  }
0xad: {  	[dreg:$0x0] =	wrdreg $0x60  }
0xae: {  	[dreg:$0x2] =	wrdreg s24  }
0xaf: {  	[dreg:$0x3] =	wrdreg $0x9  }
0xb0: {  	_ =	task.clear_ibuf [dreg:s6], $0x4FFFF;
	_ =	strace $0x90000046  }
0xb1: {  	s29 =	simm.s32 $0x9;
	_ =	strace $0x80000048  }
0xb2: {  	_ =	swait.ge [sflag:s29], $0x1  }
0xb3: {  	[sflag:s29] =	ssyncadd.s32 $0xFFFFFFFF  }
0xb4: {  	_ =	strace $0x90000048  }
0xb5: {  	_ =	sfence  }
0xb6: {  	s30 =	sld [smem:$0x0];
	_ =	sdelay $0x2  }
0xb7: {  	s31 =	sshll.u32 s1, $0xD;
	s1 =	sshrl.u32 s1, $0x2  }
0xb8: {  	s3 =	sand.u32 $0x4000, s31;
	s1 =	sadd.s32 s1, s30  }
0xb9: {  	s0 =	sor.u32 s3, s0;
	s1 =	sshll.u32 s1, $0x11  }
0xba: {  	s0 =	sor.u32 s1, s0  }
0xbb: {  	s0 =	sadd.s32 $0x8F2B, s0  }
0xbc: {  	[sflag:s0] =	ssyncadd.remote.s32 $0x1  }
0xbd: {  	_ =	sfence.sel $0xFFFF  }
0xbe: {  	[dreg:$0x0] =	wrdreg $0xFFFFFFFF;
	(pc) =	sbr.abs _section_cstart, $3  }
0xbf: {  	[dreg:$0x1] =	wrdreg $0xFFFFFFFF  }
0xc0: {  	_ =	task.clear_ibuf [dreg:s6], $0x2FFFF;
	_ =	strace $0x9FFFFFFF  }
0xc1: {  	(tm) =	ssettm $0x7FFFFFFF  }
tec
execute0_lowered:
.L_overlay_start_1:
0x0: {  	(tag) =	ssettag $0x1  }
0x1: {  	s0 =	srdreg.scid  }
0x2: {  	s7 =	stileid.u32;
	s0 =	sand.u32 $0x1, s0  }
0x3: {  	s1 =	sshll.u32 s7, $0xC;
	s2 =	sshll.u32 s0, $0xB  }
0x4: {  	s5 =	rddreg [dreg:$0x0];
	s1 =	sor.u32 s2, s1;
	s2 =	simm.s32 $0x0  }
0x5: {  	s21 =	simm.s32 $0x880;
	[smem:$0x7FF] =	sst s2  }
0x6: {  	s22 =	simm.s32 $0x1080;
	_ =	strace $0x80000047;
	[dreg:$0x3] =	wrdreg s21  }
0x7: {  	s23 =	simm.s32 $0x1880;
	[dreg:$0x4] =	wrdreg s22  }
0x8: {  	s24 =	simm.s32 $0x2080;
	[dreg:$0x5] =	wrdreg s23  }
0x9: {  	s25 =	simm.s32 $0x2880;
	[dreg:$0x6] =	wrdreg s24  }
0xa: {  	s26 =	simm.s32 $0x3080;
	[dreg:$0x7] =	wrdreg s25  }
0xb: {  	s31 =	simm.s32 $0x3880;
	[dreg:$0x8] =	wrdreg s26  }
0xc: {  	s4 =	simm.s32 $0x4080;
	[dreg:$0x9] =	wrdreg s31  }
0xd: {  	s6 =	simm.s32 $0x4880;
	s8 =	simm.s32 $0x5080;
	[dreg:$0xa] =	wrdreg s4  }
0xe: {  	s9 =	simm.s32 $0x6880;
	s10 =	simm.s32 $0x7080;
	[dreg:$0xb] =	wrdreg s6  }
0xf: {  	s11 =	simm.s32 $0x7880;
	s12 =	simm.s32 $0x8880;
	[dreg:$0xc] =	wrdreg s8  }
0x10: {  	s13 =	simm.s32 $0x8C80;
	s15 =	simm.s32 $0x9480;
	[dreg:$0xf] =	wrdreg s9  }
0x11: {  	s16 =	simm.s32 $0x9880;
	s17 =	simm.s32 $0xA080;
	[dreg:$0x10] =	wrdreg s10  }
0x12: {  	s18 =	simm.s32 $0xA480;
	s19 =	simm.s32 $0xAC80;
	[dreg:$0x11] =	wrdreg s11  }
0x13: {  	s20 =	simm.s32 $0xB080;
	s28 =	simm.s32 $0x13480;
	[dreg:$0x12] =	wrdreg s12  }
0x14: {  	s29 =	simm.s32 $0x13C80;
	s7 =	sshll.u32 s7, $0x11;
	[dreg:$0x13] =	wrdreg s13  }
0x15: {  	s30 =	simm.s32 $0x0;
	s7 =	sadd.s32 s7, s5;
	[dreg:$0x14] =	wrdreg s15  }
0x16: {  	s14 =	ssub.s32 $0x2, s0;
	s0 =	sshll.u32 s0, $0x10;
	[dreg:$0x15] =	wrdreg s16  }
0x17: {  	s0 =	sadd.s32 s0, s7;
	s1 =	sshrl.u32 s1, $0x3;
	[dreg:$0x16] =	wrdreg s17  }
0x18: {  	s0 =	sadd.s32 $0x56000, s0;
	s3 =	sadd.s32 s1, s5;
	[dreg:$0x17] =	wrdreg s18  }
0x19: {  	s4 =	simm.s32 $0x5880;
	s6 =	simm.s32 $0x6080;
	[dreg:$0x18] =	wrdreg s19  }
0x1a: {  	s1 =	smul.u32 $0x180, s1;
	s9 =	sshrl.u32 s14, $0x1;
	[dreg:$0x19] =	wrdreg s20  }
0x1b: {  	s21 =	simm.s32 $0xB880;
	[smem:$0x7FC] =	sst s0;
	s22 =	simm.s32 $0xBC80  }
0x1c: {  	s23 =	simm.s32 $0xC480;
	s24 =	simm.s32 $0xC880;
	s10 =	simm.s32 $0x80  }
0x1d: {  	s25 =	simm.s32 $0xD080;
	s11 =	simm.s32 $0x1;
	[dreg:$0xd] =	wrdreg s4  }
0x1e: {  	s26 =	simm.s32 $0xD480;
	s12 =	simm.s32 $0x8080;
	[dreg:$0xe] =	wrdreg s6  }
0x1f: {  	s31 =	simm.s32 $0xDC80;
	s13 =	simm.s32 $0xE080;
	[dreg:$0x1a] =	wrdreg s21  }
0x20: {  	s15 =	simm.s32 $0xEC80;
	s16 =	simm.s32 $0xF480;
	[dreg:$0x1b] =	wrdreg s22  }
0x21: {  	s17 =	simm.s32 $0xF880;
	s18 =	simm.s32 $0x10080;
	[dreg:$0x1c] =	wrdreg s23  }
0x22: {  	s19 =	simm.s32 $0x10480;
	s20 =	simm.s32 $0x10C80;
	[dreg:$0x1d] =	wrdreg s24  }
0x23: {  	s3 =	sadd.s32 $0x4000, s3;
	s4 =	sadd.s32 $0x6000, s5;
	[dreg:$0x1e] =	wrdreg s25  }
0x24: {  	s6 =	ssub.s32 s14, s9;
	s9 =	simm.s32 $0x2;
	[dreg:$0x1f] =	wrdreg s26  }
0x25: {  	[smem:$0x7FD] =	sst s31;
	s14 =	simm.s32 $0xE880;
	s21 =	simm.s32 $0x11080  }
0x26: {  	s22 =	simm.s32 $0x11880;
	s23 =	simm.s32 $0x11C80;
	s24 =	simm.s32 $0x12480  }
0x27: {  	v2 =	vlaneseq.u32;
	s25 =	simm.s32 $0x12880;
	s26 =	simm.s32 $0x13080;
	[dreg:$0x2] =	wrdreg s3  }
0x28: {  	vm0 =	vmmov $0xffff;
	vm1 =	vmmov $0xff;
	v1 =	vshrl.u32 v2, $0x3;
	s3 =	sadd.s32 $0x36000, s5;
	s8 =	sadd.s32 s1, s5;
	s6 =	smax.u32 s6, $0x1  }
0x29: {  	v0 =	vand.u32 $0x7, v2;
	v2 =	vor.u32 $0x8, v2;
	v1 =	vmul.u32 $0x8, v1;
	s5 =	sadd.s32 $0x6100, s5;
	[smem:$0x7FB] =	sst s6;
	s8 =	sadd.s32 $0x256000, s8  }
.LBB2_1:
0x2a: {  	s31 =	smov.u32 s8;
	s7 =	sld [smem:$0x7FC];
	s0 =	simm.s32 $0x0  }
.LBB2_2:
0x2b: {  	s6 =	rddreg [dreg:$0x2]  }
0x2c: {  	s6 =	sadd.s32 s0, s6  }
0x2d: {  	[tilespmem:s2], [sflag:$0x2] =	stream.linear.gather [hbm4b:s6+s2], $0x80, $0x38;
	[tilespmem:$0x14080] =	vst v63  }
0x2e: {  	_ =	swait.ge [sflag:s9], $0x80  }
0x2f: {  	[sflag:s9] =	ssyncset.done $0x0  }
0x30: {  	[sflag:s9] =	ssyncadd.s32 $0xFFFFFF80  }
0x31: {  	v3 =	vld [tilespmem:$0x0];
	_ =	sdelay $0x4  }
0x32: {  	v4 =	vshll.u32 v3, $0x1  }
0x33: {  	v3 =	vand.u32 $0x7, v3;
	v4 =	vand.u32 $0xFFFFFFF0, v4  }
0x34: {  	v3 =	vor.u32 v3, v4  }
0x35: {  	v4 =	vperm.xlane v3, v0;
	_ =	sdelay $0x1  }
0x36: {  	v3 =	vperm.xlane v3, v2;
	v4 =	vadd.s32 v1, v4;
	_ =	sdelay $0x1  }
0x37: {  	v3 =	vadd.s32 v1, v3;
	_ =	sdelay $0x2  }
0x38: {  	[tilespmem:s10], [sflag:$0x1] =	stream.indirect_vreg.gather [hbm4b:s3+s2], $0x80, v4, vm0, $0xb8;
	[tilespmem:$0x14080] =	vst v63  }
0x39: {  	s1 =	rddreg [dreg:$0x3]  }
0x3a: {  	[tilespmem:s1], [sflag:$0x1] =	stream.indirect_vreg.gather [hbm4b:s3+s2], $0x80, v3, vm0, $0xb8;
	[tilespmem:$0x14080] =	vst v63  }
0x3b: {  	v3 =	vld [tilespmem:$0x10];
	_ =	sdelay $0x4  }
0x3c: {  	v49 =	vshll.u32 v3, $0x1  }
0x3d: {  	v3 =	vand.u32 $0x7, v3;
	v4 =	vand.u32 $0xFFFFFFF0, v49  }
0x3e: {  	v3 =	vor.u32 v3, v4  }
0x3f: {  	v4 =	vperm.xlane v3, v0;
	_ =	sdelay $0x1  }
0x40: {  	v3 =	vperm.xlane v3, v2;
	v4 =	vadd.s32 v1, v4;
	_ =	sdelay $0x1  }
0x41: {  	v3 =	vadd.s32 v1, v3;
	_ =	sdelay $0x1  }
0x42: {  	s6 =	rddreg [dreg:$0x4]  }
0x43: {  	[tilespmem:s6], [sflag:$0x1] =	stream.indirect_vreg.gather [hbm4b:s3+s2], $0x80, v4, vm0, $0xb8;
	[tilespmem:$0x14080] =	vst v63  }
0x44: {  	s1 =	rddreg [dreg:$0x5]  }
0x45: {  	[tilespmem:s1], [sflag:$0x1] =	stream.indirect_vreg.gather [hbm4b:s3+s2], $0x80, v3, vm0, $0xb8;
	[tilespmem:$0x14080] =	vst v63  }
0x46: {  	v3 =	vld [tilespmem:$0x20];
	_ =	sdelay $0x4  }
0x47: {  	v50 =	vshll.u32 v3, $0x1  }
0x48: {  	v3 =	vand.u32 $0x7, v3;
	v4 =	vand.u32 $0xFFFFFFF0, v50  }
0x49: {  	v3 =	vor.u32 v3, v4  }
0x4a: {  	v4 =	vperm.xlane v3, v0;
	_ =	sdelay $0x1  }
0x4b: {  	v3 =	vperm.xlane v3, v2;
	v4 =	vadd.s32 v1, v4;
	_ =	sdelay $0x1  }
0x4c: {  	v3 =	vadd.s32 v1, v3;
	_ =	sdelay $0x1  }
0x4d: {  	s1 =	rddreg [dreg:$0x6]  }
0x4e: {  	[tilespmem:s1], [sflag:$0x1] =	stream.indirect_vreg.gather [hbm4b:s3+s2], $0x80, v4, vm0, $0xb8;
	[tilespmem:$0x14080] =	vst v63  }
0x4f: {  	s6 =	rddreg [dreg:$0x7]  }
0x50: {  	[tilespmem:s6], [sflag:$0x1] =	stream.indirect_vreg.gather [hbm4b:s3+s2], $0x80, v3, vm0, $0xb8;
	[tilespmem:$0x14080] =	vst v63  }
0x51: {  	v3 =	vld [tilespmem:$0x30];
	_ =	sdelay $0x4  }
0x52: {  	v51 =	vshll.u32 v3, $0x1  }
0x53: {  	v3 =	vand.u32 $0x7, v3;
	v4 =	vand.u32 $0xFFFFFFF0, v51  }
0x54: {  	v3 =	vor.u32 v3, v4  }
0x55: {  	v4 =	vperm.xlane v3, v0;
	_ =	sdelay $0x1  }
0x56: {  	v3 =	vperm.xlane v3, v2;
	v4 =	vadd.s32 v1, v4;
	_ =	sdelay $0x1  }
0x57: {  	v3 =	vadd.s32 v1, v3;
	_ =	sdelay $0x1  }
0x58: {  	s1 =	rddreg [dreg:$0x8]  }
0x59: {  	[tilespmem:s1], [sflag:$0x1] =	stream.indirect_vreg.gather [hbm4b:s3+s2], $0x80, v4, vm0, $0xb8;
	[tilespmem:$0x14080] =	vst v63  }
0x5a: {  	s6 =	rddreg [dreg:$0x9]  }
0x5b: {  	[tilespmem:s6], [sflag:$0x1] =	stream.indirect_vreg.gather [hbm4b:s3+s2], $0x80, v3, vm0, $0xb8;
	[tilespmem:$0x14080] =	vst v63  }
0x5c: {  	v3 =	vld [tilespmem:$0x40];
	_ =	sdelay $0x4  }
0x5d: {  	v52 =	vshll.u32 v3, $0x1  }
0x5e: {  	v3 =	vand.u32 $0x7, v3;
	v4 =	vand.u32 $0xFFFFFFF0, v52  }
0x5f: {  	v3 =	vor.u32 v3, v4  }
0x60: {  	v4 =	vperm.xlane v3, v0;
	_ =	sdelay $0x1  }
0x61: {  	v3 =	vperm.xlane v3, v2;
	v4 =	vadd.s32 v1, v4;
	_ =	sdelay $0x1  }
0x62: {  	v3 =	vadd.s32 v1, v3;
	_ =	sdelay $0x1  }
0x63: {  	s1 =	rddreg [dreg:$0xa]  }
0x64: {  	[tilespmem:s1], [sflag:$0x1] =	stream.indirect_vreg.gather [hbm4b:s3+s2], $0x80, v4, vm0, $0xb8;
	[tilespmem:$0x14080] =	vst v63  }
0x65: {  	s6 =	rddreg [dreg:$0xb]  }
0x66: {  	[tilespmem:s6], [sflag:$0x1] =	stream.indirect_vreg.gather [hbm4b:s3+s2], $0x80, v3, vm0, $0xb8;
	[tilespmem:$0x14080] =	vst v63  }
0x67: {  	v3 =	vld [tilespmem:$0x50];
	_ =	sdelay $0x4  }
0x68: {  	v53 =	vshll.u32 v3, $0x1  }
0x69: {  	v3 =	vand.u32 $0x7, v3;
	v4 =	vand.u32 $0xFFFFFFF0, v53  }
0x6a: {  	v3 =	vor.u32 v3, v4  }
0x6b: {  	v4 =	vperm.xlane v3, v0;
	_ =	sdelay $0x1  }
0x6c: {  	v3 =	vperm.xlane v3, v2;
	v4 =	vadd.s32 v1, v4;
	_ =	sdelay $0x1  }
0x6d: {  	v3 =	vadd.s32 v1, v3;
	_ =	sdelay $0x1  }
0x6e: {  	s1 =	rddreg [dreg:$0xc]  }
0x6f: {  	[tilespmem:s1], [sflag:$0x1] =	stream.indirect_vreg.gather [hbm4b:s3+s2], $0x80, v4, vm0, $0xb8;
	[tilespmem:$0x14080] =	vst v63  }
0x70: {  	s6 =	rddreg [dreg:$0xd]  }
0x71: {  	[tilespmem:s6], [sflag:$0x1] =	stream.indirect_vreg.gather [hbm4b:s3+s2], $0x80, v3, vm0, $0xb8;
	[tilespmem:$0x14080] =	vst v63  }
0x72: {  	v3 =	vld [tilespmem:$0x60];
	_ =	sdelay $0x4  }
0x73: {  	v54 =	vshll.u32 v3, $0x1  }
0x74: {  	v3 =	vand.u32 $0x7, v3;
	v4 =	vand.u32 $0xFFFFFFF0, v54  }
0x75: {  	v3 =	vor.u32 v3, v4  }
0x76: {  	v4 =	vperm.xlane v3, v0;
	_ =	sdelay $0x1  }
0x77: {  	v3 =	vperm.xlane v3, v2;
	v4 =	vadd.s32 v1, v4;
	_ =	sdelay $0x1  }
0x78: {  	v3 =	vadd.s32 v1, v3;
	_ =	sdelay $0x1  }
0x79: {  	s1 =	rddreg [dreg:$0xe]  }
0x7a: {  	[tilespmem:s1], [sflag:$0x1] =	stream.indirect_vreg.gather [hbm4b:s3+s2], $0x80, v4, vm0, $0xb8;
	[tilespmem:$0x14080] =	vst v63  }
0x7b: {  	s6 =	rddreg [dreg:$0xf]  }
0x7c: {  	[tilespmem:s6], [sflag:$0x1] =	stream.indirect_vreg.gather [hbm4b:s3+s2], $0x80, v3, vm0, $0xb8;
	[tilespmem:$0x14080] =	vst v63  }
0x7d: {  	v3 =	vld [tilespmem:$0x70];
	_ =	sdelay $0x4  }
0x7e: {  	v55 =	vshll.u32 v3, $0x1  }
0x7f: {  	v3 =	vand.u32 $0x7, v3;
	v4 =	vand.u32 $0xFFFFFFF0, v55  }
0x80: {  	v3 =	vor.u32 v3, v4  }
0x81: {  	v4 =	vperm.xlane v3, v0;
	_ =	sdelay $0x1  }
0x82: {  	v3 =	vperm.xlane v3, v2;
	v4 =	vadd.s32 v1, v4;
	_ =	sdelay $0x1  }
0x83: {  	v3 =	vadd.s32 v1, v3;
	_ =	sdelay $0x1  }
0x84: {  	s1 =	rddreg [dreg:$0x10]  }
0x85: {  	[tilespmem:s1], [sflag:$0x1] =	stream.indirect_vreg.gather [hbm4b:s3+s2], $0x80, v4, vm0, $0xb8;
	[tilespmem:$0x14080] =	vst v63  }
0x86: {  	s6 =	rddreg [dreg:$0x11]  }
0x87: {  	[tilespmem:s6], [sflag:$0x1] =	stream.indirect_vreg.gather [hbm4b:s3+s2], $0x80, v3, vm0, $0xb8;
	[tilespmem:$0x14080] =	vst v63  }
0x88: {  	_ =	swait.ge [sflag:s11], $0x8000  }
0x89: {  	[sflag:s11] =	ssyncset.done $0x0  }
0x8a: {  	[sflag:s11] =	ssyncadd.s32 $0xFFFF8000  }
0x8b: {  	[hbm4b:s7+s2] =	stream.linear.scatter [tilespmem:s10], [sflag:$0x2], $0x8000, $0x38;
	[tilespmem:$0x14080] =	vst v63  }
0x8c: {  	_ =	swait.ge [sflag:s9], $0x8000  }
0x8d: {  	[sflag:s9] =	ssyncset.done $0x0  }
0x8e: {  	[sflag:s9] =	ssyncadd.s32 $0xFFFF8000  }
0x8f: {  	v3 =	vld [tilespmem:$0x0];
	_ =	sdelay $0x4  }
0x90: {  	v56 =	vshrl.u32 v3, $0x3  }
0x91: {  	v4 =	vmul.u32 $0x18, v56  }
0x92: {  	v3 =	vand.u32 $0x7, v3  }
0x93: {  	v3 =	vor.u32 v3, v4  }
0x94: {  	v4 =	vperm.xlane v3, v0;
	_ =	sdelay $0x1  }
0x95: {  	v4 =	vadd.s32 v1, v4;
	_ =	sdelay $0x1  }
0x96: {  	v3 =	vperm.xlane v3, v2;
	_ =	sdelay $0x1  }
0x97: {  	v3 =	vadd.s32 v1, v3  }
0x98: {  	[tilespmem:s12], [sflag:$0x1] =	stream.indirect_vreg.gather [hbm4b:s4+s2], $0x80, v4, vm0, $0xb8;
	[tilespmem:$0x14080] =	vst v63  }
0x99: {  	s1 =	rddreg [dreg:$0x12]  }
0x9a: {  	[tilespmem:s1], [sflag:$0x1] =	stream.indirect_vreg.gather [hbm4b:s5+s2], $0x80, v4, vm1, $0xb8;
	[tilespmem:$0x14080] =	vst v63  }
0x9b: {  	s6 =	rddreg [dreg:$0x13]  }
0x9c: {  	[tilespmem:s6], [sflag:$0x1] =	stream.indirect_vreg.gather [hbm4b:s4+s2], $0x80, v3, vm0, $0xb8;
	[tilespmem:$0x14080] =	vst v63  }
0x9d: {  	s1 =	rddreg [dreg:$0x14]  }
0x9e: {  	[tilespmem:s1], [sflag:$0x1] =	stream.indirect_vreg.gather [hbm4b:s5+s2], $0x80, v3, vm1, $0xb8;
	[tilespmem:$0x14080] =	vst v63  }
0x9f: {  	v3 =	vld [tilespmem:$0x10];
	_ =	sdelay $0x4  }
0xa0: {  	v57 =	vshrl.u32 v3, $0x3  }
0xa1: {  	v4 =	vmul.u32 $0x18, v57  }
0xa2: {  	v3 =	vand.u32 $0x7, v3  }
0xa3: {  	v3 =	vor.u32 v3, v4  }
0xa4: {  	v4 =	vperm.xlane v3, v0;
	_ =	sdelay $0x1  }
0xa5: {  	v4 =	vadd.s32 v1, v4;
	_ =	sdelay $0x1  }
0xa6: {  	v3 =	vperm.xlane v3, v2;
	_ =	sdelay $0x1  }
0xa7: {  	s1 =	rddreg [dreg:$0x15];
	v3 =	vadd.s32 v1, v3  }
0xa8: {  	[tilespmem:s1], [sflag:$0x1] =	stream.indirect_vreg.gather [hbm4b:s4+s2], $0x80, v4, vm0, $0xb8;
	[tilespmem:$0x14080] =	vst v63  }
0xa9: {  	s6 =	rddreg [dreg:$0x16]  }
0xaa: {  	[tilespmem:s6], [sflag:$0x1] =	stream.indirect_vreg.gather [hbm4b:s5+s2], $0x80, v4, vm1, $0xb8;
	[tilespmem:$0x14080] =	vst v63  }
0xab: {  	s1 =	rddreg [dreg:$0x17]  }
0xac: {  	[tilespmem:s1], [sflag:$0x1] =	stream.indirect_vreg.gather [hbm4b:s4+s2], $0x80, v3, vm0, $0xb8;
	[tilespmem:$0x14080] =	vst v63  }
0xad: {  	s6 =	rddreg [dreg:$0x18]  }
0xae: {  	[tilespmem:s6], [sflag:$0x1] =	stream.indirect_vreg.gather [hbm4b:s5+s2], $0x80, v3, vm1, $0xb8;
	[tilespmem:$0x14080] =	vst v63  }
0xaf: {  	v3 =	vld [tilespmem:$0x20];
	_ =	sdelay $0x4  }
0xb0: {  	v58 =	vshrl.u32 v3, $0x3  }
0xb1: {  	v4 =	vmul.u32 $0x18, v58  }
0xb2: {  	v3 =	vand.u32 $0x7, v3  }
0xb3: {  	v3 =	vor.u32 v3, v4  }
0xb4: {  	v4 =	vperm.xlane v3, v0;
	_ =	sdelay $0x1  }
0xb5: {  	v4 =	vadd.s32 v1, v4;
	_ =	sdelay $0x1  }
0xb6: {  	v3 =	vperm.xlane v3, v2;
	_ =	sdelay $0x1  }
0xb7: {  	s1 =	rddreg [dreg:$0x19];
	v3 =	vadd.s32 v1, v3  }
0xb8: {  	[tilespmem:s1], [sflag:$0x1] =	stream.indirect_vreg.gather [hbm4b:s4+s2], $0x80, v4, vm0, $0xb8;
	[tilespmem:$0x14080] =	vst v63  }
0xb9: {  	s6 =	rddreg [dreg:$0x1a]  }
0xba: {  	[tilespmem:s6], [sflag:$0x1] =	stream.indirect_vreg.gather [hbm4b:s5+s2], $0x80, v4, vm1, $0xb8;
	[tilespmem:$0x14080] =	vst v63  }
0xbb: {  	s1 =	rddreg [dreg:$0x1b]  }
0xbc: {  	[tilespmem:s1], [sflag:$0x1] =	stream.indirect_vreg.gather [hbm4b:s4+s2], $0x80, v3, vm0, $0xb8;
	[tilespmem:$0x14080] =	vst v63  }
0xbd: {  	s6 =	rddreg [dreg:$0x1c]  }
0xbe: {  	[tilespmem:s6], [sflag:$0x1] =	stream.indirect_vreg.gather [hbm4b:s5+s2], $0x80, v3, vm1, $0xb8;
	[tilespmem:$0x14080] =	vst v63  }
0xbf: {  	v3 =	vld [tilespmem:$0x30];
	_ =	sdelay $0x4  }
0xc0: {  	v59 =	vshrl.u32 v3, $0x3  }
0xc1: {  	v4 =	vmul.u32 $0x18, v59  }
0xc2: {  	v3 =	vand.u32 $0x7, v3  }
0xc3: {  	v3 =	vor.u32 v3, v4  }
0xc4: {  	v4 =	vperm.xlane v3, v0;
	_ =	sdelay $0x1  }
0xc5: {  	v4 =	vadd.s32 v1, v4;
	_ =	sdelay $0x1  }
0xc6: {  	v3 =	vperm.xlane v3, v2  }
0xc7: {  	s1 =	rddreg [dreg:$0x1d]  }
0xc8: {  	s6 =	rddreg [dreg:$0x1e];
	v3 =	vadd.s32 v1, v3  }
0xc9: {  	[tilespmem:s1], [sflag:$0x1] =	stream.indirect_vreg.gather [hbm4b:s4+s2], $0x80, v4, vm0, $0xb8;
	[tilespmem:$0x14080] =	vst v63  }
0xca: {  	s1 =	rddreg [dreg:$0x1f]  }
0xcb: {  	[tilespmem:s6], [sflag:$0x1] =	stream.indirect_vreg.gather [hbm4b:s5+s2], $0x80, v4, vm1, $0xb8;
	[tilespmem:$0x14080] =	vst v63  }
0xcc: {  	s6 =	sld [smem:$0x7FD]  }
0xcd: {  	[tilespmem:s1], [sflag:$0x1] =	stream.indirect_vreg.gather [hbm4b:s4+s2], $0x80, v3, vm0, $0xb8;
	[tilespmem:$0x14080] =	vst v63  }
0xce: {  	_ = 	snop  }
0xcf: {  	[tilespmem:s6], [sflag:$0x1] =	stream.indirect_vreg.gather [hbm4b:s5+s2], $0x80, v3, vm1, $0xb8;
	[tilespmem:$0x14080] =	vst v63  }
0xd0: {  	v3 =	vld [tilespmem:$0x40];
	_ =	sdelay $0x4  }
0xd1: {  	v60 =	vshrl.u32 v3, $0x3  }
0xd2: {  	v4 =	vmul.u32 $0x18, v60  }
0xd3: {  	v3 =	vand.u32 $0x7, v3  }
0xd4: {  	v3 =	vor.u32 v3, v4  }
0xd5: {  	v4 =	vperm.xlane v3, v0;
	_ =	sdelay $0x1  }
0xd6: {  	v4 =	vadd.s32 v1, v4;
	_ =	sdelay $0x1  }
0xd7: {  	v3 =	vperm.xlane v3, v2;
	_ =	sdelay $0x1  }
0xd8: {  	v3 =	vadd.s32 v1, v3  }
0xd9: {  	[tilespmem:s13], [sflag:$0x1] =	stream.indirect_vreg.gather [hbm4b:s4+s2], $0x80, v4, vm0, $0xb8;
	[tilespmem:$0x14080] =	vst v63  }
0xda: {  	_ = 	snop  }
0xdb: {  	[tilespmem:s14], [sflag:$0x1] =	stream.indirect_vreg.gather [hbm4b:s5+s2], $0x80, v4, vm1, $0xb8;
	[tilespmem:$0x14080] =	vst v63  }
0xdc: {  	_ = 	snop  }
0xdd: {  	[tilespmem:s15], [sflag:$0x1] =	stream.indirect_vreg.gather [hbm4b:s4+s2], $0x80, v3, vm0, $0xb8;
	[tilespmem:$0x14080] =	vst v63  }
0xde: {  	_ = 	snop  }
0xdf: {  	[tilespmem:s16], [sflag:$0x1] =	stream.indirect_vreg.gather [hbm4b:s5+s2], $0x80, v3, vm1, $0xb8;
	[tilespmem:$0x14080] =	vst v63  }
0xe0: {  	v3 =	vld [tilespmem:$0x50];
	_ =	sdelay $0x4  }
0xe1: {  	v61 =	vshrl.u32 v3, $0x3  }
0xe2: {  	v4 =	vmul.u32 $0x18, v61  }
0xe3: {  	v3 =	vand.u32 $0x7, v3  }
0xe4: {  	v3 =	vor.u32 v3, v4  }
0xe5: {  	v4 =	vperm.xlane v3, v0;
	_ =	sdelay $0x1  }
0xe6: {  	v4 =	vadd.s32 v1, v4;
	_ =	sdelay $0x1  }
0xe7: {  	v3 =	vperm.xlane v3, v2;
	_ =	sdelay $0x1  }
0xe8: {  	v3 =	vadd.s32 v1, v3  }
0xe9: {  	[tilespmem:s17], [sflag:$0x1] =	stream.indirect_vreg.gather [hbm4b:s4+s2], $0x80, v4, vm0, $0xb8;
	[tilespmem:$0x14080] =	vst v63  }
0xea: {  	_ = 	snop  }
0xeb: {  	[tilespmem:s18], [sflag:$0x1] =	stream.indirect_vreg.gather [hbm4b:s5+s2], $0x80, v4, vm1, $0xb8;
	[tilespmem:$0x14080] =	vst v63  }
0xec: {  	_ = 	snop  }
0xed: {  	[tilespmem:s19], [sflag:$0x1] =	stream.indirect_vreg.gather [hbm4b:s4+s2], $0x80, v3, vm0, $0xb8;
	[tilespmem:$0x14080] =	vst v63  }
0xee: {  	_ = 	snop  }
0xef: {  	[tilespmem:s20], [sflag:$0x1] =	stream.indirect_vreg.gather [hbm4b:s5+s2], $0x80, v3, vm1, $0xb8;
	[tilespmem:$0x14080] =	vst v63  }
0xf0: {  	v3 =	vld [tilespmem:$0x60];
	_ =	sdelay $0x4  }
0xf1: {  	v62 =	vshrl.u32 v3, $0x3  }
0xf2: {  	v4 =	vmul.u32 $0x18, v62  }
0xf3: {  	v3 =	vand.u32 $0x7, v3  }
0xf4: {  	v3 =	vor.u32 v3, v4  }
0xf5: {  	v4 =	vperm.xlane v3, v0;
	_ =	sdelay $0x1  }
0xf6: {  	v4 =	vadd.s32 v1, v4;
	_ =	sdelay $0x1  }
0xf7: {  	v3 =	vperm.xlane v3, v2;
	_ =	sdelay $0x1  }
0xf8: {  	v3 =	vadd.s32 v1, v3  }
0xf9: {  	[tilespmem:s21], [sflag:$0x1] =	stream.indirect_vreg.gather [hbm4b:s4+s2], $0x80, v4, vm0, $0xb8;
	[tilespmem:$0x14080] =	vst v63  }
0xfa: {  	_ = 	snop  }
0xfb: {  	[tilespmem:s22], [sflag:$0x1] =	stream.indirect_vreg.gather [hbm4b:s5+s2], $0x80, v4, vm1, $0xb8;
	[tilespmem:$0x14080] =	vst v63  }
0xfc: {  	_ = 	snop  }
0xfd: {  	[tilespmem:s23], [sflag:$0x1] =	stream.indirect_vreg.gather [hbm4b:s4+s2], $0x80, v3, vm0, $0xb8;
	[tilespmem:$0x14080] =	vst v63  }
0xfe: {  	_ = 	snop  }
0xff: {  	[tilespmem:s24], [sflag:$0x1] =	stream.indirect_vreg.gather [hbm4b:s5+s2], $0x80, v3, vm1, $0xb8;
	[tilespmem:$0x14080] =	vst v63  }
0x100: {  	v3 =	vld [tilespmem:$0x70];
	_ =	sdelay $0x4  }
0x101: {  	v63 =	vshrl.u32 v3, $0x3  }
0x102: {  	v4 =	vmul.u32 $0x18, v63  }
0x103: {  	v3 =	vand.u32 $0x7, v3  }
0x104: {  	v3 =	vor.u32 v3, v4  }
0x105: {  	v4 =	vperm.xlane v3, v0;
	_ =	sdelay $0x1  }
0x106: {  	v4 =	vadd.s32 v1, v4;
	_ =	sdelay $0x1  }
0x107: {  	v3 =	vperm.xlane v3, v2;
	_ =	sdelay $0x1  }
0x108: {  	v3 =	vadd.s32 v1, v3  }
0x109: {  	[tilespmem:s25], [sflag:$0x1] =	stream.indirect_vreg.gather [hbm4b:s4+s2], $0x80, v4, vm0, $0xb8;
	[tilespmem:$0x14080] =	vst v63  }
0x10a: {  	_ = 	snop  }
0x10b: {  	[tilespmem:s26], [sflag:$0x1] =	stream.indirect_vreg.gather [hbm4b:s5+s2], $0x80, v4, vm1, $0xb8;
	[tilespmem:$0x14080] =	vst v63  }
0x10c: {  	_ = 	snop  }
0x10d: {  	[tilespmem:s28], [sflag:$0x1] =	stream.indirect_vreg.gather [hbm4b:s4+s2], $0x80, v3, vm0, $0xb8;
	[tilespmem:$0x14080] =	vst v63  }
0x10e: {  	_ = 	snop  }
0x10f: {  	[tilespmem:s29], [sflag:$0x1] =	stream.indirect_vreg.gather [hbm4b:s5+s2], $0x80, v3, vm1, $0xb8;
	[tilespmem:$0x14080] =	vst v63  }
0x110: {  	_ =	swait.ge [sflag:s11], $0xC000  }
0x111: {  	p0 =	sne.s32 s0, $0xF0;
	[sflag:s11] =	ssyncset.done $0x0  }
.Ltmp0:
0x112: {  	[sflag:s11] =	ssyncadd.s32 $0xFFFF4000;
	(pc) =	sbr.rel @p0 .LBB2_2-.Ltmp0, $4  }
0x113: {  	[hbm4b:s31+s2] =	stream.linear.scatter [tilespmem:s12], [sflag:$0x2], $0xC000, $0x38;
	[tilespmem:$0x14080] =	vst v63  }
0x114: {  	_ =	swait.ge [sflag:s9], $0xC000  }
0x115: {  	s0 =	sadd.s32 $0x10, s0;
	[sflag:s9] =	ssyncset.done $0x0  }
0x116: {  	s7 =	sadd.s32 $0x1000, s7;
	s31 =	sadd.s32 $0x1800, s31;
	[sflag:s9] =	ssyncadd.s32 $0xFFFF4000  }
0x117: {  	s0 =	sld [smem:$0x7FB];
	_ =	sdelay $0x1  }
0x118: {  	s30 =	sadd.s32 $0x1, s30  }
0x119: {  	p0 =	sne.s32 s30, s0  }
.Ltmp1:
0x11a: {  	_ = 	snop;
	(pc) =	sbr.rel @p0 .LBB2_1-.Ltmp1, $1  }
0x11b: {  	_ =	sdelay $0x3  }
0x11c: {  	_ =	sfence.sel $0x180000  }
0x11d: {  	[bflag:$0x0] =	sbarrier.arrive $0xFFFF  }
0x11e: {  	_ =	strace $0x90000047  }
0x11f: {  	s0 =	stileid.u32;
	[bflag:$0x2] =	sbarrier.arrive $0xFFFF  }
0x120: {  	p0 =	sne.s32 s0, $0x0;
	s0 =	rddreg [dreg:$0x1]  }
0x121: {  	s0 =	sadd.s32 @!p0 $0x100000, s0  }
0x122: {  	[sflag:s0] =	ssyncadd.tile.s32 @!p0 $0x1;
	_ =	shalt  }
.Lfunc_end2:
_tile_overlayer_lowered:
.L_overlay_start_2:
0x123: {  	(tag) =	ssettag $0x2  }
0x124: {  	s0 =	rddreg [dreg:$0x0];
	s2 =	stileid.u32  }
0x125: {  	s1 =	rddreg [dreg:$0x1];
	p0 =	sne.s32 s2, $0x0  }
0x126: {  	s3 =	rddreg [dreg:$0x2];
	[bflag:$0x3] =	sbarrier.arrive $0xFFFF;
	s2 =	simm.s32 @!p0 $0x1C02  }
0x127: {  	[timem:s3], [sflag:s2] =	dma.local @!p0 [hbm:s0], s1  }
0x128: {  	s0 =	simm.s32 @!p0 $0x2  }
0x129: {  	_ =	swait.ge @!p0 [sflag:s0], s1  }
0x12a: {  	s1 =	ssub.s32 @!p0 $0x0, s1;
	[sflag:s0] =	ssyncset.done @!p0 $0x0  }
0x12b: {  	[sflag:s0] =	ssyncadd.s32 @!p0 s1  }
0x12c: {  	[bflag:$0x3] =	sbarrier.arrive $0xFFFF  }
0x12d: {  	_ =	shalt  }

</sc_bundles>
